<compile_context>
chip_gen: v7x
topology: tpu7x:2x2x1
jax: 0.10.2.dev20260603
libtpu: 0.0.44.dev20260713+nightly
codegen_flags: <defaults>
</compile_context>

<pallas_src>
import jax
import jax.numpy as jnp
from jax import lax
from jax.experimental import pallas as pl
from jax.experimental.pallas import tpu as pltpu
from jax.experimental.pallas import tpu_sc as plsc

_K = 64
_IMIN = -(2 ** 31)
_CAP = 512
_NB1 = 2048
_NB2 = 128
_T = 4096
_NGRP = 256
_GRP_PER_W = 8


def _shr(x, n):
    return lax.shift_right_logical(x, lax.full_like(x, n))


def _skey(x):
    b = lax.bitcast_convert_type(x, jnp.int32)
    m = lax.shift_right_arithmetic(b, lax.full_like(b, 31))
    return jnp.bitwise_xor(b, lax.shift_right_logical(m, lax.full_like(m, 1)))


def _sc_body(x_hbm, o_hbm, xblk, hist, hist2, buf, obuf_i, obuf_f, sem1, sem2):
    wid = lax.axis_index("s") * 2 + lax.axis_index("c")
    lanes = lax.iota(jnp.int32, 16)
    imin = jnp.full((16,), _IMIN, jnp.int32)
    sh21 = jnp.full((16,), 21, jnp.int32)
    one16 = jnp.ones((16,), jnp.int32)
    zero16 = jnp.zeros((16,), jnp.int32)
    kvec = jnp.full((16,), _K, jnp.int32)

    half = _T // 2

    def _fire(g):
        b = g // 64
        dg = g % 64
        pltpu.async_copy(
            x_hbm.at[b, pl.ds(0, half), pl.ds(dg * 16, 16)],
            xblk.at[pl.ds(0, half)], sem1)
        pltpu.async_copy(
            x_hbm.at[b, pl.ds(half, half), pl.ds(dg * 16, 16)],
            xblk.at[pl.ds(half, half)], sem2)

    def _drain(g):
        b = g // 64
        dg = g % 64
        pltpu.make_async_copy(
            x_hbm.at[b, pl.ds(0, half), pl.ds(dg * 16, 16)],
            xblk.at[pl.ds(0, half)], sem1).wait()
        pltpu.make_async_copy(
            x_hbm.at[b, pl.ds(half, half), pl.ds(dg * 16, 16)],
            xblk.at[pl.ds(half, half)], sem2).wait()

    _fire(wid * _GRP_PER_W)

    def group_body(gi, _carry):
        g = wid * _GRP_PER_W + gi
        b = g // 64
        dg = g % 64
        _drain(g)

        def zh(i, _):
            for c in range(8):
                hist[i * 8 + c] = zero16
            return 0
        lax.fori_loop(0, _NB1 // 8, zh, 0, unroll=2)

        def pa(i, st):
            smax = st
            ss = [_skey(xblk[i * 8 + c]) for c in range(8)]
            bs = [lax.shift_right_arithmetic(s, sh21) + 1024 for s in ss]
            m01 = jnp.maximum(ss[0], ss[1])
            m23 = jnp.maximum(ss[2], ss[3])
            m45 = jnp.maximum(ss[4], ss[5])
            m67 = jnp.maximum(ss[6], ss[7])
            m03 = jnp.maximum(m01, m23)
            m47 = jnp.maximum(m45, m67)
            smax = jnp.maximum(smax, jnp.maximum(m03, m47))
            for c in range(8):
                plsc.addupdate_scatter(hist, [bs[c], lanes], one16)
            return smax
        smax = lax.fori_loop(0, _T // 8, pa, imin)

        startbin = jnp.max(lax.shift_right_arithmetic(smax, sh21) + 1024)

        def sc_cond(st):
            c, _bin, _piv, _above = st
            return jnp.any(c < kvec)

        def sc_body(st):
            c, bin_, piv, above = st
            row = hist[bin_]
            newc = c + row
            take = jnp.logical_and(c < kvec, newc >= kvec)
            piv = jnp.where(take, bin_, piv)
            above = jnp.where(take, c, above)
            return (newc, bin_ - 1, piv, above)
        _, _, piv1, above1 = lax.while_loop(
            sc_cond, sc_body, (zero16, startbin, zero16, zero16))
        rem = kvec - above1

        def pb(i, cnt):
            ss = [_skey(xblk[i * 8 + c]) for c in range(8)]
            mi = [
                ((lax.shift_right_arithmetic(s, sh21) + 1024) >= piv1
                 ).astype(jnp.int32)
                for s in ss
            ]
            pos = []
            run = cnt
            for c in range(8):
                pos.append(run)
                run = run + mi[c]
            for c in range(8):
                m = jnp.logical_and(mi[c] > 0, pos[c] < _CAP)
                plsc.store_scatter(buf, [pos[c], lanes], ss[c], mask=m)
            return jnp.minimum(run, jnp.full((16,), _CAP, jnp.int32))
        cnt = lax.fori_loop(0, _T // 8, pb, zero16)
        gnext = jnp.minimum(g + 1, wid * _GRP_PER_W + _GRP_PER_W - 1)
        _fire(gnext)
        maxcnt = jnp.max(cnt)

        prefix = piv1
        for sh in (14, 7, 0):
            def zh2(i, _):
                hist2[i] = zero16
                return 0
            lax.fori_loop(0, _NB2, zh2, 0, unroll=4)

            def hb(t2, _):
                s = buf[t2]
                u = jnp.bitwise_xor(s, imin)
                valid = cnt > t2
                inplay = jnp.logical_and(valid, _shr(u, sh + 7) == prefix)
                b2 = jnp.bitwise_and(_shr(u, sh), _NB2 - 1)
                plsc.addupdate_scatter(hist2, [b2, lanes], one16, mask=inplay)
                return 0
            lax.fori_loop(0, maxcnt, hb, 0)

            def s2(i, st):
                c, pf, above = st
                sb = _NB2 - 1 - i
                row = hist2[sb]
                newc = c + row
                take = jnp.logical_and(c < rem, newc >= rem)
                pf = jnp.where(take, sb, pf)
                above = jnp.where(take, c, above)
                return (newc, pf, above)
            _, pivr, above_r = lax.fori_loop(0, _NB2, s2, (zero16, zero16, zero16))
            prefix = prefix * _NB2 + pivr
            rem = rem - above_r

        thr_s = jnp.bitwise_xor(prefix, imin)

        def pd(t2, st):
            ocnt, eqc = st
            s = buf[t2]
            valid = cnt > t2
            gt = s > thr_s
            eq = jnp.logical_and(valid, s == thr_s)
            eqok = jnp.logical_and(eq, eqc < rem)
            sel = jnp.logical_and(valid, jnp.logical_or(gt, eqok))
            plsc.store_scatter(obuf_i, [ocnt, lanes], s, mask=sel)
            ocnt = ocnt + jnp.where(sel, 1, 0)
            eqc = eqc + jnp.where(eq, 1, 0)
            return (ocnt, eqc)
        lax.fori_loop(0, maxcnt, pd, (zero16, zero16))

        def cv(j, _):
            sv = obuf_i[j]
            bb = jnp.where(sv < 0,
                           jnp.bitwise_not(jnp.bitwise_xor(sv, imin)), sv)
            obuf_f[j] = lax.bitcast_convert_type(bb, jnp.float32)
            return 0
        lax.fori_loop(0, _K, cv, 0, unroll=4)

        pltpu.sync_copy(obuf_f, o_hbm.at[b, :, pl.ds(dg * 16, 16)])
        return 0

    lax.fori_loop(0, _GRP_PER_W, group_body, 0)
    _drain(wid * _GRP_PER_W)


def _sc_call(xg):
    mesh = plsc.VectorSubcoreMesh(core_axis_name="c", subcore_axis_name="s")
    f = pl.kernel(
        _sc_body,
        out_type=jax.ShapeDtypeStruct((4, _K, 1024), jnp.float32),
        mesh=mesh,
        compiler_params=pltpu.CompilerParams(
            needs_layout_passes=False, use_tc_tiling_on_sc=False),
        scratch_types=[
            pltpu.VMEM((_T, 16), jnp.float32),
            pltpu.VMEM((_NB1, 16), jnp.int32),
            pltpu.VMEM((_NB2, 16), jnp.int32),
            pltpu.VMEM((_CAP, 16), jnp.int32),
            pltpu.VMEM((_K, 16), jnp.int32),
            pltpu.VMEM((_K, 16), jnp.float32),
            pltpu.SemaphoreType.DMA,
            pltpu.SemaphoreType.DMA,
        ],
    )
    return f(xg)


@jax.jit
def kernel(inputs):
    return _sc_call(inputs)

# --- scband reference (transcript-rebuilt; emitter-appended) ---
"""Pipeline reference for scband-kmax-pooling-27401891349282 (READ-ONLY COPY).

The authoritative reference and input builder live on the scoring server;
editing this copy changes nothing except your own understanding.
"""

import jax, jax.numpy as jnp
import numpy as np

K_TOP = 64

def setup_inputs(seed: int = 0) -> dict:
    key = jax.random.key(seed)
    inputs = jax.random.normal(key, (4, 4096, 1024), dtype=jnp.float32)
    return {"inputs": inputs}

def reference(inputs):
    # KMaxPooling: select k largest values along the time axis (axis=1),
    # preserving their original relative (temporal) order.
    # Permute to [B, D, T]
    p = jnp.transpose(inputs, (0, 2, 1))
    # top-k indices along last (time) dim
    _, topk_idx = jax.lax.top_k(p, K_TOP)
    # sort indices to preserve relative temporal order
    topk_idx = jnp.sort(topk_idx, axis=-1)
    # gather the values at those (sorted) time positions
    topk_vals = jnp.take_along_axis(p, topk_idx, axis=-1)
    # permute back to [B, k, D]
    return jnp.transpose(topk_vals, (0, 2, 1))

if __name__ == "__main__":
    import jax
    _d = setup_inputs()
    print(jax.jit(kernel)(*tuple(_d.values())))

</pallas_src>

<mosaic_0001>
#map = affine_map<(d0, d1) -> (0, 0, 0)>
module attributes {stable_mosaic.version = 14 : i64} {
  func.func @_sc_body(%arg0: i32, %arg1: i32, %arg2: memref<4x4096x1024xf32, #tpu.memory_space<hbm>>, %arg3: memref<4x64x1024xf32, #tpu.memory_space<hbm>>, %arg4: memref<4096x16xf32, #tpu.memory_space<vmem>>, %arg5: memref<2048x16xi32, #tpu.memory_space<vmem>>, %arg6: memref<128x16xi32, #tpu.memory_space<vmem>>, %arg7: memref<512x16xi32, #tpu.memory_space<vmem>>, %arg8: memref<64x16xi32, #tpu.memory_space<vmem>>, %arg9: memref<64x16xf32, #tpu.memory_space<vmem>>, %arg10: memref<!tpu.dma_semaphore, #tpu.memory_space<semaphore_mem>>, %arg11: memref<!tpu.dma_semaphore, #tpu.memory_space<semaphore_mem>>) attributes {dimension_semantics = [#tpu.dimension_semantics<core_parallel>, #tpu.dimension_semantics<subcore_parallel>], iteration_bounds = array<i64: 2, 16>, scalar_prefetch = 0 : i64, scratch_operands = 8 : i64, tpu.core_type = #tpu.core_type<sc_vector_subcore>, window_params = [{transform_indices = #map}, {transform_indices = #map}]} {
    %mul3A = arith.constant 2 : i32
    %mul3A_0 = arith.muli %arg1, %mul3A : i32
    %add3A = arith.addi %mul3A_0, %arg0 : i32
    %iota3A = tpu.iota {dimensions = array<i32: 0>} : vector<16xi32>
    %broadcast_in_dim3A = arith.constant -2147483648 : i32
    %broadcast_in_dim3A_1 = vector.broadcast %broadcast_in_dim3A : i32 to vector<16xi32>
    %broadcast_in_dim3A_2 = arith.constant 21 : i32
    %broadcast_in_dim3A_3 = vector.broadcast %broadcast_in_dim3A_2 : i32 to vector<16xi32>
    %broadcast_in_dim3A_4 = arith.constant 1 : i32
    %broadcast_in_dim3A_5 = vector.broadcast %broadcast_in_dim3A_4 : i32 to vector<16xi32>
    %broadcast_in_dim3A_6 = arith.constant 0 : i32
    %broadcast_in_dim3A_7 = vector.broadcast %broadcast_in_dim3A_6 : i32 to vector<16xi32>
    %broadcast_in_dim3A_8 = arith.constant 64 : i32
    %broadcast_in_dim3A_9 = vector.broadcast %broadcast_in_dim3A_8 : i32 to vector<16xi32>
    %mul3A_10 = arith.constant 8 : i32
    %mul3A_11 = arith.muli %add3A, %mul3A_10 : i32
    %jit3A = arith.constant 64 : i32
    %div3A = arith.divsi %mul3A_11, %jit3A : i32
    %sign3A = arith.constant 0 : i32
    %sign3A_12 = arith.cmpi sgt, %mul3A_11, %sign3A : i32
    %sign3A_13 = arith.extui %sign3A_12 : i1 to i32
    %sign3A_14 = arith.constant 0 : i32
    %sign3A_15 = arith.cmpi slt, %mul3A_11, %sign3A_14 : i32
    %sign3A_16 = arith.extui %sign3A_15 : i1 to i32
    %sign3A_17 = arith.subi %sign3A_13, %sign3A_16 : i32
    %sign3A_18 = arith.constant 0 : i32
    %sign3A_19 = arith.cmpi sgt, %jit3A, %sign3A_18 : i32
    %sign3A_20 = arith.extui %sign3A_19 : i1 to i32
    %sign3A_21 = arith.constant 0 : i32
    %sign3A_22 = arith.cmpi slt, %jit3A, %sign3A_21 : i32
    %sign3A_23 = arith.extui %sign3A_22 : i1 to i32
    %sign3A_24 = arith.subi %sign3A_20, %sign3A_23 : i32
    %ne3A = arith.cmpi ne, %sign3A_17, %sign3A_24 : i32
    %rem3A = arith.remsi %mul3A_11, %jit3A : i32
    %ne3A_25 = arith.constant 0 : i32
    %ne3A_26 = arith.cmpi ne, %rem3A, %ne3A_25 : i32
    %and3A = arith.andi %ne3A, %ne3A_26 : i1
    %sub3A = arith.constant 1 : i32
    %sub3A_27 = arith.subi %div3A, %sub3A : i32
    %select_n3A = arith.select %and3A, %sub3A_27, %div3A : i32
    %jit3A_28 = arith.constant 64 : i32
    %eq3A = arith.constant 0 : i32
    %eq3A_29 = arith.cmpi eq, %jit3A_28, %eq3A : i32
    %jit3A_30 = arith.constant 1 : i32
    %select_n3A_31 = arith.select %eq3A_29, %jit3A_30, %jit3A_28 : i32
    %rem3A_32 = arith.remsi %mul3A_11, %select_n3A_31 : i32
    %ne3A_33 = arith.constant 0 : i32
    %ne3A_34 = arith.cmpi ne, %rem3A_32, %ne3A_33 : i32
    %lt3A = arith.constant 0 : i32
    %lt3A_35 = arith.cmpi slt, %rem3A_32, %lt3A : i32
    %lt3A_36 = arith.constant 0 : i32
    %lt3A_37 = arith.cmpi slt, %select_n3A_31, %lt3A_36 : i32
    %ne3A_38 = arith.xori %lt3A_35, %lt3A_37 : i1
    %and3A_39 = arith.andi %ne3A_38, %ne3A_34 : i1
    %add3A_40 = arith.addi %rem3A_32, %select_n3A_31 : i32
    %select_n3A_41 = arith.select %and3A_39, %add3A_40, %rem3A_32 : i32
    %mul3A_42 = arith.constant 16 : i32
    %mul3A_43 = arith.muli %select_n3A_41, %mul3A_42 : i32
    %dma_start3A = arith.constant 0 : i32
    %dma_start3A_44 = arith.constant 0 : i32
    %dma_start3A_45 = tpu.memref_slice %arg4[%dma_start3A, %dma_start3A_44] : memref<4096x16xf32, #tpu.memory_space<vmem>> -> memref<2048x16xf32, #tpu.memory_space<vmem>>
    %dma_start3A_46 = arith.constant 0 : i32
    %dma_start3A_47 = tpu.memref_slice %arg2[%select_n3A, %dma_start3A_46, %mul3A_43] : memref<4x4096x1024xf32, #tpu.memory_space<hbm>> -> memref<1x2048x16xf32, #tpu.memory_space<hbm>>
    %dma_start3A_48 = tpu.memref_squeeze %dma_start3A_47 : memref<1x2048x16xf32, #tpu.memory_space<hbm>> -> memref<2048x16xf32, #tpu.memory_space<hbm>>
    %dma_start3A_49 = arith.constant 0 : i32
    %dma_start3A_50 = arith.constant 0 : i32
    %dma_start3A_51 = tpu.memref_slice %arg4[%dma_start3A_49, %dma_start3A_50] : memref<4096x16xf32, #tpu.memory_space<vmem>> -> memref<2048x16xf32, #tpu.memory_space<vmem>>
    %dma_start3A_52 = arith.constant 0 : i32
    %dma_start3A_53 = tpu.memref_slice %arg2[%select_n3A, %dma_start3A_52, %mul3A_43] : memref<4x4096x1024xf32, #tpu.memory_space<hbm>> -> memref<1x2048x16xf32, #tpu.memory_space<hbm>>
    %dma_start3A_54 = tpu.memref_squeeze %dma_start3A_53 : memref<1x2048x16xf32, #tpu.memory_space<hbm>> -> memref<2048x16xf32, #tpu.memory_space<hbm>>
    tpu.enqueue_dma source(%dma_start3A_54 : memref<2048x16xf32, #tpu.memory_space<hbm>>) target(%dma_start3A_51 : memref<2048x16xf32, #tpu.memory_space<vmem>>) target_semaphore(%arg10 : memref<!tpu.dma_semaphore, #tpu.memory_space<semaphore_mem>>)
    %mul3A_55 = arith.constant 16 : i32
    %mul3A_56 = arith.muli %select_n3A_41, %mul3A_55 : i32
    %dma_start3A_57 = arith.constant 2048 : i32
    %dma_start3A_58 = arith.constant 0 : i32
    %dma_start3A_59 = tpu.memref_slice %arg4[%dma_start3A_57, %dma_start3A_58] : memref<4096x16xf32, #tpu.memory_space<vmem>> -> memref<2048x16xf32, #tpu.memory_space<vmem>>
    %dma_start3A_60 = arith.constant 2048 : i32
    %dma_start3A_61 = tpu.memref_slice %arg2[%select_n3A, %dma_start3A_60, %mul3A_56] : memref<4x4096x1024xf32, #tpu.memory_space<hbm>> -> memref<1x2048x16xf32, #tpu.memory_space<hbm>>
    %dma_start3A_62 = tpu.memref_squeeze %dma_start3A_61 : memref<1x2048x16xf32, #tpu.memory_space<hbm>> -> memref<2048x16xf32, #tpu.memory_space<hbm>>
    %dma_start3A_63 = arith.constant 2048 : i32
    %dma_start3A_64 = arith.constant 0 : i32
    %dma_start3A_65 = tpu.memref_slice %arg4[%dma_start3A_63, %dma_start3A_64] : memref<4096x16xf32, #tpu.memory_space<vmem>> -> memref<2048x16xf32, #tpu.memory_space<vmem>>
    %dma_start3A_66 = arith.constant 2048 : i32
    %dma_start3A_67 = tpu.memref_slice %arg2[%select_n3A, %dma_start3A_66, %mul3A_56] : memref<4x4096x1024xf32, #tpu.memory_space<hbm>> -> memref<1x2048x16xf32, #tpu.memory_space<hbm>>
    %dma_start3A_68 = tpu.memref_squeeze %dma_start3A_67 : memref<1x2048x16xf32, #tpu.memory_space<hbm>> -> memref<2048x16xf32, #tpu.memory_space<hbm>>
    tpu.enqueue_dma source(%dma_start3A_68 : memref<2048x16xf32, #tpu.memory_space<hbm>>) target(%dma_start3A_65 : memref<2048x16xf32, #tpu.memory_space<vmem>>) target_semaphore(%arg11 : memref<!tpu.dma_semaphore, #tpu.memory_space<semaphore_mem>>)
    %scan3A = arith.constant 0 : i32
    %scan3A_69 = arith.constant 0 : i32
    %scan3A_70 = arith.constant 8 : i32
    %scan3A_71 = arith.addi %scan3A_69, %scan3A_70 : i32
    %scan3A_72 = arith.constant 1 : i32
    %scan3A_73 = scf.for %scan3A_144 = %scan3A_69 to %scan3A_71 step %scan3A_72 iter_args(%scan3A_145 = %scan3A) -> (i32)  : i32 {
      %mul3A_146 = arith.constant 8 : i32
      %mul3A_147 = arith.muli %add3A, %mul3A_146 : i32
      %add3A_148 = arith.addi %mul3A_147, %scan3A_144 : i32
      %jit3A_149 = arith.constant 64 : i32
      %div3A_150 = arith.divsi %add3A_148, %jit3A_149 : i32
      %sign3A_151 = arith.constant 0 : i32
      %sign3A_152 = arith.cmpi sgt, %add3A_148, %sign3A_151 : i32
      %sign3A_153 = arith.extui %sign3A_152 : i1 to i32
      %sign3A_154 = arith.constant 0 : i32
      %sign3A_155 = arith.cmpi slt, %add3A_148, %sign3A_154 : i32
      %sign3A_156 = arith.extui %sign3A_155 : i1 to i32
      %sign3A_157 = arith.subi %sign3A_153, %sign3A_156 : i32
      %sign3A_158 = arith.constant 0 : i32
      %sign3A_159 = arith.cmpi sgt, %jit3A_149, %sign3A_158 : i32
      %sign3A_160 = arith.extui %sign3A_159 : i1 to i32
      %sign3A_161 = arith.constant 0 : i32
      %sign3A_162 = arith.cmpi slt, %jit3A_149, %sign3A_161 : i32
      %sign3A_163 = arith.extui %sign3A_162 : i1 to i32
      %sign3A_164 = arith.subi %sign3A_160, %sign3A_163 : i32
      %ne3A_165 = arith.cmpi ne, %sign3A_157, %sign3A_164 : i32
      %rem3A_166 = arith.remsi %add3A_148, %jit3A_149 : i32
      %ne3A_167 = arith.constant 0 : i32
      %ne3A_168 = arith.cmpi ne, %rem3A_166, %ne3A_167 : i32
      %and3A_169 = arith.andi %ne3A_165, %ne3A_168 : i1
      %sub3A_170 = arith.constant 1 : i32
      %sub3A_171 = arith.subi %div3A_150, %sub3A_170 : i32
      %select_n3A_172 = arith.select %and3A_169, %sub3A_171, %div3A_150 : i32
      %jit3A_173 = arith.constant 64 : i32
      %eq3A_174 = arith.constant 0 : i32
      %eq3A_175 = arith.cmpi eq, %jit3A_173, %eq3A_174 : i32
      %jit3A_176 = arith.constant 1 : i32
      %select_n3A_177 = arith.select %eq3A_175, %jit3A_176, %jit3A_173 : i32
      %rem3A_178 = arith.remsi %add3A_148, %select_n3A_177 : i32
      %ne3A_179 = arith.constant 0 : i32
      %ne3A_180 = arith.cmpi ne, %rem3A_178, %ne3A_179 : i32
      %lt3A_181 = arith.constant 0 : i32
      %lt3A_182 = arith.cmpi slt, %rem3A_178, %lt3A_181 : i32
      %lt3A_183 = arith.constant 0 : i32
      %lt3A_184 = arith.cmpi slt, %select_n3A_177, %lt3A_183 : i32
      %ne3A_185 = arith.xori %lt3A_182, %lt3A_184 : i1
      %and3A_186 = arith.andi %ne3A_185, %ne3A_180 : i1
      %add3A_187 = arith.addi %rem3A_178, %select_n3A_177 : i32
      %select_n3A_188 = arith.select %and3A_186, %add3A_187, %rem3A_178 : i32
      %jit3A_189 = arith.constant 64 : i32
      %div3A_190 = arith.divsi %add3A_148, %jit3A_189 : i32
      %sign3A_191 = arith.constant 0 : i32
      %sign3A_192 = arith.cmpi sgt, %add3A_148, %sign3A_191 : i32
      %sign3A_193 = arith.extui %sign3A_192 : i1 to i32
      %sign3A_194 = arith.constant 0 : i32
      %sign3A_195 = arith.cmpi slt, %add3A_148, %sign3A_194 : i32
      %sign3A_196 = arith.extui %sign3A_195 : i1 to i32
      %sign3A_197 = arith.subi %sign3A_193, %sign3A_196 : i32
      %sign3A_198 = arith.constant 0 : i32
      %sign3A_199 = arith.cmpi sgt, %jit3A_189, %sign3A_198 : i32
      %sign3A_200 = arith.extui %sign3A_199 : i1 to i32
      %sign3A_201 = arith.constant 0 : i32
      %sign3A_202 = arith.cmpi slt, %jit3A_189, %sign3A_201 : i32
      %sign3A_203 = arith.extui %sign3A_202 : i1 to i32
      %sign3A_204 = arith.subi %sign3A_200, %sign3A_203 : i32
      %ne3A_205 = arith.cmpi ne, %sign3A_197, %sign3A_204 : i32
      %rem3A_206 = arith.remsi %add3A_148, %jit3A_189 : i32
      %ne3A_207 = arith.constant 0 : i32
      %ne3A_208 = arith.cmpi ne, %rem3A_206, %ne3A_207 : i32
      %and3A_209 = arith.andi %ne3A_205, %ne3A_208 : i1
      %sub3A_210 = arith.constant 1 : i32
      %sub3A_211 = arith.subi %div3A_190, %sub3A_210 : i32
      %select_n3A_212 = arith.select %and3A_209, %sub3A_211, %div3A_190 : i32
      %jit3A_213 = arith.constant 64 : i32
      %eq3A_214 = arith.constant 0 : i32
      %eq3A_215 = arith.cmpi eq, %jit3A_213, %eq3A_214 : i32
      %jit3A_216 = arith.constant 1 : i32
      %select_n3A_217 = arith.select %eq3A_215, %jit3A_216, %jit3A_213 : i32
      %rem3A_218 = arith.remsi %add3A_148, %select_n3A_217 : i32
      %ne3A_219 = arith.constant 0 : i32
      %ne3A_220 = arith.cmpi ne, %rem3A_218, %ne3A_219 : i32
      %lt3A_221 = arith.constant 0 : i32
      %lt3A_222 = arith.cmpi slt, %rem3A_218, %lt3A_221 : i32
      %lt3A_223 = arith.constant 0 : i32
      %lt3A_224 = arith.cmpi slt, %select_n3A_217, %lt3A_223 : i32
      %ne3A_225 = arith.xori %lt3A_222, %lt3A_224 : i1
      %and3A_226 = arith.andi %ne3A_225, %ne3A_220 : i1
      %add3A_227 = arith.addi %rem3A_218, %select_n3A_217 : i32
      %select_n3A_228 = arith.select %and3A_226, %add3A_227, %rem3A_218 : i32
      %mul3A_229 = arith.constant 16 : i32
      %mul3A_230 = arith.muli %select_n3A_228, %mul3A_229 : i32
      %dma_wait3A_231 = arith.constant 0 : i32
      %dma_wait3A_232 = arith.constant 0 : i32
      %dma_wait3A_233 = tpu.memref_slice %arg4[%dma_wait3A_231, %dma_wait3A_232] : memref<4096x16xf32, #tpu.memory_space<vmem>> -> memref<2048x16xf32, #tpu.memory_space<vmem>>
      %dma_wait3A_234 = arith.constant 0 : i32
      %dma_wait3A_235 = tpu.memref_slice %arg2[%select_n3A_212, %dma_wait3A_234, %mul3A_230] : memref<4x4096x1024xf32, #tpu.memory_space<hbm>> -> memref<1x2048x16xf32, #tpu.memory_space<hbm>>
      %dma_wait3A_236 = tpu.memref_squeeze %dma_wait3A_235 : memref<1x2048x16xf32, #tpu.memory_space<hbm>> -> memref<2048x16xf32, #tpu.memory_space<hbm>>
      %dma_wait3A_237 = arith.constant 0 : i32
      %dma_wait3A_238 = arith.constant 0 : i32
      %dma_wait3A_239 = tpu.memref_slice %arg4[%dma_wait3A_237, %dma_wait3A_238] : memref<4096x16xf32, #tpu.memory_space<vmem>> -> memref<2048x16xf32, #tpu.memory_space<vmem>>
      %dma_wait3A_240 = arith.constant 0 : i32
      %dma_wait3A_241 = tpu.memref_slice %arg2[%select_n3A_212, %dma_wait3A_240, %mul3A_230] : memref<4x4096x1024xf32, #tpu.memory_space<hbm>> -> memref<1x2048x16xf32, #tpu.memory_space<hbm>>
      %dma_wait3A_242 = tpu.memref_squeeze %dma_wait3A_241 : memref<1x2048x16xf32, #tpu.memory_space<hbm>> -> memref<2048x16xf32, #tpu.memory_space<hbm>>
      tpu.wait_dma2 semaphore(%arg10 : memref<!tpu.dma_semaphore, #tpu.memory_space<semaphore_mem>>) src(%dma_wait3A_242 : memref<2048x16xf32, #tpu.memory_space<hbm>>) dst(%dma_wait3A_239 : memref<2048x16xf32, #tpu.memory_space<vmem>>)
      %mul3A_243 = arith.constant 16 : i32
      %mul3A_244 = arith.muli %select_n3A_228, %mul3A_243 : i32
      %dma_wait3A_245 = arith.constant 2048 : i32
      %dma_wait3A_246 = arith.constant 0 : i32
      %dma_wait3A_247 = tpu.memref_slice %arg4[%dma_wait3A_245, %dma_wait3A_246] : memref<4096x16xf32, #tpu.memory_space<vmem>> -> memref<2048x16xf32, #tpu.memory_space<vmem>>
      %dma_wait3A_248 = arith.constant 2048 : i32
      %dma_wait3A_249 = tpu.memref_slice %arg2[%select_n3A_212, %dma_wait3A_248, %mul3A_244] : memref<4x4096x1024xf32, #tpu.memory_space<hbm>> -> memref<1x2048x16xf32, #tpu.memory_space<hbm>>
      %dma_wait3A_250 = tpu.memref_squeeze %dma_wait3A_249 : memref<1x2048x16xf32, #tpu.memory_space<hbm>> -> memref<2048x16xf32, #tpu.memory_space<hbm>>
      %dma_wait3A_251 = arith.constant 2048 : i32
      %dma_wait3A_252 = arith.constant 0 : i32
      %dma_wait3A_253 = tpu.memref_slice %arg4[%dma_wait3A_251, %dma_wait3A_252] : memref<4096x16xf32, #tpu.memory_space<vmem>> -> memref<2048x16xf32, #tpu.memory_space<vmem>>
      %dma_wait3A_254 = arith.constant 2048 : i32
      %dma_wait3A_255 = tpu.memref_slice %arg2[%select_n3A_212, %dma_wait3A_254, %mul3A_244] : memref<4x4096x1024xf32, #tpu.memory_space<hbm>> -> memref<1x2048x16xf32, #tpu.memory_space<hbm>>
      %dma_wait3A_256 = tpu.memref_squeeze %dma_wait3A_255 : memref<1x2048x16xf32, #tpu.memory_space<hbm>> -> memref<2048x16xf32, #tpu.memory_space<hbm>>
      tpu.wait_dma2 semaphore(%arg11 : memref<!tpu.dma_semaphore, #tpu.memory_space<semaphore_mem>>) src(%dma_wait3A_256 : memref<2048x16xf32, #tpu.memory_space<hbm>>) dst(%dma_wait3A_253 : memref<2048x16xf32, #tpu.memory_space<vmem>>)
      %scan3A_257 = arith.constant 0 : i32
      %scan3A_258 = arith.constant 0 : i32
      %scan3A_259 = arith.constant 256 : i32
      %scan3A_260 = arith.addi %scan3A_258, %scan3A_259 : i32
      %scan3A_261 = arith.constant 2 : i32
      %scan3A_262 = scf.for %scan3A_482 = %scan3A_258 to %scan3A_260 step %scan3A_261 iter_args(%scan3A_483 = %scan3A_257) -> (i32)  : i32 {
        %mul3A_484 = arith.constant 8 : i32
        %mul3A_485 = arith.muli %scan3A_482, %mul3A_484 : i32
        %add3A_486 = arith.constant 0 : i32
        %add3A_487 = arith.addi %mul3A_485, %add3A_486 : i32
        %swap3A = arith.index_cast %add3A_487 : i32 to index
        %swap3A_488 = arith.constant 0 : index
        %swap3A_489 = tpu.vector_load %arg5[%swap3A, %swap3A_488] {strides = array<i32>} : memref<2048x16xi32, #tpu.memory_space<vmem>>, vector<16xi32>,
        tpu.vector_store %arg5[%swap3A, %swap3A_488], %broadcast_in_dim3A_7 {strides = array<i32>} : memref<2048x16xi32, #tpu.memory_space<vmem>>, vector<16xi32>,
        %mul3A_490 = arith.constant 8 : i32
        %mul3A_491 = arith.muli %scan3A_482, %mul3A_490 : i32
        %add3A_492 = arith.constant 1 : i32
        %add3A_493 = arith.addi %mul3A_491, %add3A_492 : i32
        %swap3A_494 = arith.index_cast %add3A_493 : i32 to index
        %swap3A_495 = arith.constant 0 : index
        %swap3A_496 = tpu.vector_load %arg5[%swap3A_494, %swap3A_495] {strides = array<i32>} : memref<2048x16xi32, #tpu.memory_space<vmem>>, vector<16xi32>,
        tpu.vector_store %arg5[%swap3A_494, %swap3A_495], %broadcast_in_dim3A_7 {strides = array<i32>} : memref<2048x16xi32, #tpu.memory_space<vmem>>, vector<16xi32>,
        %mul3A_497 = arith.constant 8 : i32
        %mul3A_498 = arith.muli %scan3A_482, %mul3A_497 : i32
        %add3A_499 = arith.constant 2 : i32
        %add3A_500 = arith.addi %mul3A_498, %add3A_499 : i32
        %swap3A_501 = arith.index_cast %add3A_500 : i32 to index
        %swap3A_502 = arith.constant 0 : index
        %swap3A_503 = tpu.vector_load %arg5[%swap3A_501, %swap3A_502] {strides = array<i32>} : memref<2048x16xi32, #tpu.memory_space<vmem>>, vector<16xi32>,
        tpu.vector_store %arg5[%swap3A_501, %swap3A_502], %broadcast_in_dim3A_7 {strides = array<i32>} : memref<2048x16xi32, #tpu.memory_space<vmem>>, vector<16xi32>,
        %mul3A_504 = arith.constant 8 : i32
        %mul3A_505 = arith.muli %scan3A_482, %mul3A_504 : i32
        %add3A_506 = arith.constant 3 : i32
        %add3A_507 = arith.addi %mul3A_505, %add3A_506 : i32
        %swap3A_508 = arith.index_cast %add3A_507 : i32 to index
        %swap3A_509 = arith.constant 0 : index
        %swap3A_510 = tpu.vector_load %arg5[%swap3A_508, %swap3A_509] {strides = array<i32>} : memref<2048x16xi32, #tpu.memory_space<vmem>>, vector<16xi32>,
        tpu.vector_store %arg5[%swap3A_508, %swap3A_509], %broadcast_in_dim3A_7 {strides = array<i32>} : memref<2048x16xi32, #tpu.memory_space<vmem>>, vector<16xi32>,
        %mul3A_511 = arith.constant 8 : i32
        %mul3A_512 = arith.muli %scan3A_482, %mul3A_511 : i32
        %add3A_513 = arith.constant 4 : i32
        %add3A_514 = arith.addi %mul3A_512, %add3A_513 : i32
        %swap3A_515 = arith.index_cast %add3A_514 : i32 to index
        %swap3A_516 = arith.constant 0 : index
        %swap3A_517 = tpu.vector_load %arg5[%swap3A_515, %swap3A_516] {strides = array<i32>} : memref<2048x16xi32, #tpu.memory_space<vmem>>, vector<16xi32>,
        tpu.vector_store %arg5[%swap3A_515, %swap3A_516], %broadcast_in_dim3A_7 {strides = array<i32>} : memref<2048x16xi32, #tpu.memory_space<vmem>>, vector<16xi32>,
        %mul3A_518 = arith.constant 8 : i32
        %mul3A_519 = arith.muli %scan3A_482, %mul3A_518 : i32
        %add3A_520 = arith.constant 5 : i32
        %add3A_521 = arith.addi %mul3A_519, %add3A_520 : i32
        %swap3A_522 = arith.index_cast %add3A_521 : i32 to index
        %swap3A_523 = arith.constant 0 : index
        %swap3A_524 = tpu.vector_load %arg5[%swap3A_522, %swap3A_523] {strides = array<i32>} : memref<2048x16xi32, #tpu.memory_space<vmem>>, vector<16xi32>,
        tpu.vector_store %arg5[%swap3A_522, %swap3A_523], %broadcast_in_dim3A_7 {strides = array<i32>} : memref<2048x16xi32, #tpu.memory_space<vmem>>, vector<16xi32>,
        %mul3A_525 = arith.constant 8 : i32
        %mul3A_526 = arith.muli %scan3A_482, %mul3A_525 : i32
        %add3A_527 = arith.constant 6 : i32
        %add3A_528 = arith.addi %mul3A_526, %add3A_527 : i32
        %swap3A_529 = arith.index_cast %add3A_528 : i32 to index
        %swap3A_530 = arith.constant 0 : index
        %swap3A_531 = tpu.vector_load %arg5[%swap3A_529, %swap3A_530] {strides = array<i32>} : memref<2048x16xi32, #tpu.memory_space<vmem>>, vector<16xi32>,
        tpu.vector_store %arg5[%swap3A_529, %swap3A_530], %broadcast_in_dim3A_7 {strides = array<i32>} : memref<2048x16xi32, #tpu.memory_space<vmem>>, vector<16xi32>,
        %mul3A_532 = arith.constant 8 : i32
        %mul3A_533 = arith.muli %scan3A_482, %mul3A_532 : i32
        %add3A_534 = arith.constant 7 : i32
        %add3A_535 = arith.addi %mul3A_533, %add3A_534 : i32
        %swap3A_536 = arith.index_cast %add3A_535 : i32 to index
        %swap3A_537 = arith.constant 0 : index
        %swap3A_538 = tpu.vector_load %arg5[%swap3A_536, %swap3A_537] {strides = array<i32>} : memref<2048x16xi32, #tpu.memory_space<vmem>>, vector<16xi32>,
        tpu.vector_store %arg5[%swap3A_536, %swap3A_537], %broadcast_in_dim3A_7 {strides = array<i32>} : memref<2048x16xi32, #tpu.memory_space<vmem>>, vector<16xi32>,
        %scan3A_539 = arith.constant 0 : i32
        %scan3A_540 = arith.constant 1 : i32
        %scan3A_541 = arith.addi %scan3A_482, %scan3A_540 : i32
        %mul3A_542 = arith.constant 8 : i32
        %mul3A_543 = arith.muli %scan3A_541, %mul3A_542 : i32
        %add3A_544 = arith.constant 0 : i32
        %add3A_545 = arith.addi %mul3A_543, %add3A_544 : i32
        %swap3A_546 = arith.index_cast %add3A_545 : i32 to index
        %swap3A_547 = arith.constant 0 : index
        %swap3A_548 = tpu.vector_load %arg5[%swap3A_546, %swap3A_547] {strides = array<i32>} : memref<2048x16xi32, #tpu.memory_space<vmem>>, vector<16xi32>,
        tpu.vector_store %arg5[%swap3A_546, %swap3A_547], %broadcast_in_dim3A_7 {strides = array<i32>} : memref<2048x16xi32, #tpu.memory_space<vmem>>, vector<16xi32>,
        %mul3A_549 = arith.constant 8 : i32
        %mul3A_550 = arith.muli %scan3A_541, %mul3A_549 : i32
        %add3A_551 = arith.constant 1 : i32
        %add3A_552 = arith.addi %mul3A_550, %add3A_551 : i32
        %swap3A_553 = arith.index_cast %add3A_552 : i32 to index
        %swap3A_554 = arith.constant 0 : index
        %swap3A_555 = tpu.vector_load %arg5[%swap3A_553, %swap3A_554] {strides = array<i32>} : memref<2048x16xi32, #tpu.memory_space<vmem>>, vector<16xi32>,
        tpu.vector_store %arg5[%swap3A_553, %swap3A_554], %broadcast_in_dim3A_7 {strides = array<i32>} : memref<2048x16xi32, #tpu.memory_space<vmem>>, vector<16xi32>,
        %mul3A_556 = arith.constant 8 : i32
        %mul3A_557 = arith.muli %scan3A_541, %mul3A_556 : i32
        %add3A_558 = arith.constant 2 : i32
        %add3A_559 = arith.addi %mul3A_557, %add3A_558 : i32
        %swap3A_560 = arith.index_cast %add3A_559 : i32 to index
        %swap3A_561 = arith.constant 0 : index
        %swap3A_562 = tpu.vector_load %arg5[%swap3A_560, %swap3A_561] {strides = array<i32>} : memref<2048x16xi32, #tpu.memory_space<vmem>>, vector<16xi32>,
        tpu.vector_store %arg5[%swap3A_560, %swap3A_561], %broadcast_in_dim3A_7 {strides = array<i32>} : memref<2048x16xi32, #tpu.memory_space<vmem>>, vector<16xi32>,
        %mul3A_563 = arith.constant 8 : i32
        %mul3A_564 = arith.muli %scan3A_541, %mul3A_563 : i32
        %add3A_565 = arith.constant 3 : i32
        %add3A_566 = arith.addi %mul3A_564, %add3A_565 : i32
        %swap3A_567 = arith.index_cast %add3A_566 : i32 to index
        %swap3A_568 = arith.constant 0 : index
        %swap3A_569 = tpu.vector_load %arg5[%swap3A_567, %swap3A_568] {strides = array<i32>} : memref<2048x16xi32, #tpu.memory_space<vmem>>, vector<16xi32>,
        tpu.vector_store %arg5[%swap3A_567, %swap3A_568], %broadcast_in_dim3A_7 {strides = array<i32>} : memref<2048x16xi32, #tpu.memory_space<vmem>>, vector<16xi32>,
        %mul3A_570 = arith.constant 8 : i32
        %mul3A_571 = arith.muli %scan3A_541, %mul3A_570 : i32
        %add3A_572 = arith.constant 4 : i32
        %add3A_573 = arith.addi %mul3A_571, %add3A_572 : i32
        %swap3A_574 = arith.index_cast %add3A_573 : i32 to index
        %swap3A_575 = arith.constant 0 : index
        %swap3A_576 = tpu.vector_load %arg5[%swap3A_574, %swap3A_575] {strides = array<i32>} : memref<2048x16xi32, #tpu.memory_space<vmem>>, vector<16xi32>,
        tpu.vector_store %arg5[%swap3A_574, %swap3A_575], %broadcast_in_dim3A_7 {strides = array<i32>} : memref<2048x16xi32, #tpu.memory_space<vmem>>, vector<16xi32>,
        %mul3A_577 = arith.constant 8 : i32
        %mul3A_578 = arith.muli %scan3A_541, %mul3A_577 : i32
        %add3A_579 = arith.constant 5 : i32
        %add3A_580 = arith.addi %mul3A_578, %add3A_579 : i32
        %swap3A_581 = arith.index_cast %add3A_580 : i32 to index
        %swap3A_582 = arith.constant 0 : index
        %swap3A_583 = tpu.vector_load %arg5[%swap3A_581, %swap3A_582] {strides = array<i32>} : memref<2048x16xi32, #tpu.memory_space<vmem>>, vector<16xi32>,
        tpu.vector_store %arg5[%swap3A_581, %swap3A_582], %broadcast_in_dim3A_7 {strides = array<i32>} : memref<2048x16xi32, #tpu.memory_space<vmem>>, vector<16xi32>,
        %mul3A_584 = arith.constant 8 : i32
        %mul3A_585 = arith.muli %scan3A_541, %mul3A_584 : i32
        %add3A_586 = arith.constant 6 : i32
        %add3A_587 = arith.addi %mul3A_585, %add3A_586 : i32
        %swap3A_588 = arith.index_cast %add3A_587 : i32 to index
        %swap3A_589 = arith.constant 0 : index
        %swap3A_590 = tpu.vector_load %arg5[%swap3A_588, %swap3A_589] {strides = array<i32>} : memref<2048x16xi32, #tpu.memory_space<vmem>>, vector<16xi32>,
        tpu.vector_store %arg5[%swap3A_588, %swap3A_589], %broadcast_in_dim3A_7 {strides = array<i32>} : memref<2048x16xi32, #tpu.memory_space<vmem>>, vector<16xi32>,
        %mul3A_591 = arith.constant 8 : i32
        %mul3A_592 = arith.muli %scan3A_541, %mul3A_591 : i32
        %add3A_593 = arith.constant 7 : i32
        %add3A_594 = arith.addi %mul3A_592, %add3A_593 : i32
        %swap3A_595 = arith.index_cast %add3A_594 : i32 to index
        %swap3A_596 = arith.constant 0 : index
        %swap3A_597 = tpu.vector_load %arg5[%swap3A_595, %swap3A_596] {strides = array<i32>} : memref<2048x16xi32, #tpu.memory_space<vmem>>, vector<16xi32>,
        tpu.vector_store %arg5[%swap3A_595, %swap3A_596], %broadcast_in_dim3A_7 {strides = array<i32>} : memref<2048x16xi32, #tpu.memory_space<vmem>>, vector<16xi32>,
        %scan3A_598 = arith.constant 0 : i32
        scf.yield %scan3A_598 : i32
      }
      %scan3A_263 = arith.constant 256 : i32
      %scan3A_264 = arith.constant 0 : i32
      %scan3A_265 = arith.constant 512 : i32
      %scan3A_266 = arith.addi %scan3A_264, %scan3A_265 : i32
      %scan3A_267 = arith.constant 1 : i32
      %scan3A_268 = scf.for %scan3A_482 = %scan3A_264 to %scan3A_266 step %scan3A_267 iter_args(%scan3A_483 = %broadcast_in_dim3A_1) -> (vector<16xi32>)  : i32 {
        %mul3A_484 = arith.constant 8 : i32
        %mul3A_485 = arith.muli %scan3A_482, %mul3A_484 : i32
        %add3A_486 = arith.constant 0 : i32
        %add3A_487 = arith.addi %mul3A_485, %add3A_486 : i32
        %get3A = arith.index_cast %add3A_487 : i32 to index
        %get3A_488 = arith.constant 0 : index
        %get3A_489 = tpu.vector_load %arg4[%get3A, %get3A_488] {strides = array<i32>} : memref<4096x16xf32, #tpu.memory_space<vmem>>, vector<16xf32>,
        %bitcast_convert_type3A = tpu.bitcast %get3A_489 : vector<16xf32> -> vector<16xi32>
        %broadcast_in_dim3A_490 = arith.constant 31 : i32
        %broadcast_in_dim3A_491 = vector.broadcast %broadcast_in_dim3A_490 : i32 to vector<16xi32>
        %shift_right_arithmetic3A_492 = arith.shrsi %bitcast_convert_type3A, %broadcast_in_dim3A_491 : vector<16xi32>
        %broadcast_in_dim3A_493 = arith.constant 1 : i32
        %broadcast_in_dim3A_494 = vector.broadcast %broadcast_in_dim3A_493 : i32 to vector<16xi32>
        %shift_right_logical3A = arith.shrui %shift_right_arithmetic3A_492, %broadcast_in_dim3A_494 : vector<16xi32>
        %xor3A_495 = arith.xori %bitcast_convert_type3A, %shift_right_logical3A : vector<16xi32>
        %mul3A_496 = arith.constant 8 : i32
        %mul3A_497 = arith.muli %scan3A_482, %mul3A_496 : i32
        %add3A_498 = arith.constant 1 : i32
        %add3A_499 = arith.addi %mul3A_497, %add3A_498 : i32
        %get3A_500 = arith.index_cast %add3A_499 : i32 to index
        %get3A_501 = arith.constant 0 : index
        %get3A_502 = tpu.vector_load %arg4[%get3A_500, %get3A_501] {strides = array<i32>} : memref<4096x16xf32, #tpu.memory_space<vmem>>, vector<16xf32>,
        %bitcast_convert_type3A_503 = tpu.bitcast %get3A_502 : vector<16xf32> -> vector<16xi32>
        %broadcast_in_dim3A_504 = arith.constant 31 : i32
        %broadcast_in_dim3A_505 = vector.broadcast %broadcast_in_dim3A_504 : i32 to vector<16xi32>
        %shift_right_arithmetic3A_506 = arith.shrsi %bitcast_convert_type3A_503, %broadcast_in_dim3A_505 : vector<16xi32>
        %broadcast_in_dim3A_507 = arith.constant 1 : i32
        %broadcast_in_dim3A_508 = vector.broadcast %broadcast_in_dim3A_507 : i32 to vector<16xi32>
        %shift_right_logical3A_509 = arith.shrui %shift_right_arithmetic3A_506, %broadcast_in_dim3A_508 : vector<16xi32>
        %xor3A_510 = arith.xori %bitcast_convert_type3A_503, %shift_right_logical3A_509 : vector<16xi32>
        %mul3A_511 = arith.constant 8 : i32
        %mul3A_512 = arith.muli %scan3A_482, %mul3A_511 : i32
        %add3A_513 = arith.constant 2 : i32
        %add3A_514 = arith.addi %mul3A_512, %add3A_513 : i32
        %get3A_515 = arith.index_cast %add3A_514 : i32 to index
        %get3A_516 = arith.constant 0 : index
        %get3A_517 = tpu.vector_load %arg4[%get3A_515, %get3A_516] {strides = array<i32>} : memref<4096x16xf32, #tpu.memory_space<vmem>>, vector<16xf32>,
        %bitcast_convert_type3A_518 = tpu.bitcast %get3A_517 : vector<16xf32> -> vector<16xi32>
        %broadcast_in_dim3A_519 = arith.constant 31 : i32
        %broadcast_in_dim3A_520 = vector.broadcast %broadcast_in_dim3A_519 : i32 to vector<16xi32>
        %shift_right_arithmetic3A_521 = arith.shrsi %bitcast_convert_type3A_518, %broadcast_in_dim3A_520 : vector<16xi32>
        %broadcast_in_dim3A_522 = arith.constant 1 : i32
        %broadcast_in_dim3A_523 = vector.broadcast %broadcast_in_dim3A_522 : i32 to vector<16xi32>
        %shift_right_logical3A_524 = arith.shrui %shift_right_arithmetic3A_521, %broadcast_in_dim3A_523 : vector<16xi32>
        %xor3A_525 = arith.xori %bitcast_convert_type3A_518, %shift_right_logical3A_524 : vector<16xi32>
        %mul3A_526 = arith.constant 8 : i32
        %mul3A_527 = arith.muli %scan3A_482, %mul3A_526 : i32
        %add3A_528 = arith.constant 3 : i32
        %add3A_529 = arith.addi %mul3A_527, %add3A_528 : i32
        %get3A_530 = arith.index_cast %add3A_529 : i32 to index
        %get3A_531 = arith.constant 0 : index
        %get3A_532 = tpu.vector_load %arg4[%get3A_530, %get3A_531] {strides = array<i32>} : memref<4096x16xf32, #tpu.memory_space<vmem>>, vector<16xf32>,
        %bitcast_convert_type3A_533 = tpu.bitcast %get3A_532 : vector<16xf32> -> vector<16xi32>
        %broadcast_in_dim3A_534 = arith.constant 31 : i32
        %broadcast_in_dim3A_535 = vector.broadcast %broadcast_in_dim3A_534 : i32 to vector<16xi32>
        %shift_right_arithmetic3A_536 = arith.shrsi %bitcast_convert_type3A_533, %broadcast_in_dim3A_535 : vector<16xi32>
        %broadcast_in_dim3A_537 = arith.constant 1 : i32
        %broadcast_in_dim3A_538 = vector.broadcast %broadcast_in_dim3A_537 : i32 to vector<16xi32>
        %shift_right_logical3A_539 = arith.shrui %shift_right_arithmetic3A_536, %broadcast_in_dim3A_538 : vector<16xi32>
        %xor3A_540 = arith.xori %bitcast_convert_type3A_533, %shift_right_logical3A_539 : vector<16xi32>
        %mul3A_541 = arith.constant 8 : i32
        %mul3A_542 = arith.muli %scan3A_482, %mul3A_541 : i32
        %add3A_543 = arith.constant 4 : i32
        %add3A_544 = arith.addi %mul3A_542, %add3A_543 : i32
        %get3A_545 = arith.index_cast %add3A_544 : i32 to index
        %get3A_546 = arith.constant 0 : index
        %get3A_547 = tpu.vector_load %arg4[%get3A_545, %get3A_546] {strides = array<i32>} : memref<4096x16xf32, #tpu.memory_space<vmem>>, vector<16xf32>,
        %bitcast_convert_type3A_548 = tpu.bitcast %get3A_547 : vector<16xf32> -> vector<16xi32>
        %broadcast_in_dim3A_549 = arith.constant 31 : i32
        %broadcast_in_dim3A_550 = vector.broadcast %broadcast_in_dim3A_549 : i32 to vector<16xi32>
        %shift_right_arithmetic3A_551 = arith.shrsi %bitcast_convert_type3A_548, %broadcast_in_dim3A_550 : vector<16xi32>
        %broadcast_in_dim3A_552 = arith.constant 1 : i32
        %broadcast_in_dim3A_553 = vector.broadcast %broadcast_in_dim3A_552 : i32 to vector<16xi32>
        %shift_right_logical3A_554 = arith.shrui %shift_right_arithmetic3A_551, %broadcast_in_dim3A_553 : vector<16xi32>
        %xor3A_555 = arith.xori %bitcast_convert_type3A_548, %shift_right_logical3A_554 : vector<16xi32>
        %mul3A_556 = arith.constant 8 : i32
        %mul3A_557 = arith.muli %scan3A_482, %mul3A_556 : i32
        %add3A_558 = arith.constant 5 : i32
        %add3A_559 = arith.addi %mul3A_557, %add3A_558 : i32
        %get3A_560 = arith.index_cast %add3A_559 : i32 to index
        %get3A_561 = arith.constant 0 : index
        %get3A_562 = tpu.vector_load %arg4[%get3A_560, %get3A_561] {strides = array<i32>} : memref<4096x16xf32, #tpu.memory_space<vmem>>, vector<16xf32>,
        %bitcast_convert_type3A_563 = tpu.bitcast %get3A_562 : vector<16xf32> -> vector<16xi32>
        %broadcast_in_dim3A_564 = arith.constant 31 : i32
        %broadcast_in_dim3A_565 = vector.broadcast %broadcast_in_dim3A_564 : i32 to vector<16xi32>
        %shift_right_arithmetic3A_566 = arith.shrsi %bitcast_convert_type3A_563, %broadcast_in_dim3A_565 : vector<16xi32>
        %broadcast_in_dim3A_567 = arith.constant 1 : i32
        %broadcast_in_dim3A_568 = vector.broadcast %broadcast_in_dim3A_567 : i32 to vector<16xi32>
        %shift_right_logical3A_569 = arith.shrui %shift_right_arithmetic3A_566, %broadcast_in_dim3A_568 : vector<16xi32>
        %xor3A_570 = arith.xori %bitcast_convert_type3A_563, %shift_right_logical3A_569 : vector<16xi32>
        %mul3A_571 = arith.constant 8 : i32
        %mul3A_572 = arith.muli %scan3A_482, %mul3A_571 : i32
        %add3A_573 = arith.constant 6 : i32
        %add3A_574 = arith.addi %mul3A_572, %add3A_573 : i32
        %get3A_575 = arith.index_cast %add3A_574 : i32 to index
        %get3A_576 = arith.constant 0 : index
        %get3A_577 = tpu.vector_load %arg4[%get3A_575, %get3A_576] {strides = array<i32>} : memref<4096x16xf32, #tpu.memory_space<vmem>>, vector<16xf32>,
        %bitcast_convert_type3A_578 = tpu.bitcast %get3A_577 : vector<16xf32> -> vector<16xi32>
        %broadcast_in_dim3A_579 = arith.constant 31 : i32
        %broadcast_in_dim3A_580 = vector.broadcast %broadcast_in_dim3A_579 : i32 to vector<16xi32>
        %shift_right_arithmetic3A_581 = arith.shrsi %bitcast_convert_type3A_578, %broadcast_in_dim3A_580 : vector<16xi32>
        %broadcast_in_dim3A_582 = arith.constant 1 : i32
        %broadcast_in_dim3A_583 = vector.broadcast %broadcast_in_dim3A_582 : i32 to vector<16xi32>
        %shift_right_logical3A_584 = arith.shrui %shift_right_arithmetic3A_581, %broadcast_in_dim3A_583 : vector<16xi32>
        %xor3A_585 = arith.xori %bitcast_convert_type3A_578, %shift_right_logical3A_584 : vector<16xi32>
        %mul3A_586 = arith.constant 8 : i32
        %mul3A_587 = arith.muli %scan3A_482, %mul3A_586 : i32
        %add3A_588 = arith.constant 7 : i32
        %add3A_589 = arith.addi %mul3A_587, %add3A_588 : i32
        %get3A_590 = arith.index_cast %add3A_589 : i32 to index
        %get3A_591 = arith.constant 0 : index
        %get3A_592 = tpu.vector_load %arg4[%get3A_590, %get3A_591] {strides = array<i32>} : memref<4096x16xf32, #tpu.memory_space<vmem>>, vector<16xf32>,
        %bitcast_convert_type3A_593 = tpu.bitcast %get3A_592 : vector<16xf32> -> vector<16xi32>
        %broadcast_in_dim3A_594 = arith.constant 31 : i32
        %broadcast_in_dim3A_595 = vector.broadcast %broadcast_in_dim3A_594 : i32 to vector<16xi32>
        %shift_right_arithmetic3A_596 = arith.shrsi %bitcast_convert_type3A_593, %broadcast_in_dim3A_595 : vector<16xi32>
        %broadcast_in_dim3A_597 = arith.constant 1 : i32
        %broadcast_in_dim3A_598 = vector.broadcast %broadcast_in_dim3A_597 : i32 to vector<16xi32>
        %shift_right_logical3A_599 = arith.shrui %shift_right_arithmetic3A_596, %broadcast_in_dim3A_598 : vector<16xi32>
        %xor3A_600 = arith.xori %bitcast_convert_type3A_593, %shift_right_logical3A_599 : vector<16xi32>
        %shift_right_arithmetic3A_601 = arith.shrsi %xor3A_495, %broadcast_in_dim3A_3 : vector<16xi32>
        %add3A_602 = arith.constant 1024 : i32
        %add3A_603 = vector.broadcast %add3A_602 : i32 to vector<16xi32>
        %add3A_604 = arith.addi %shift_right_arithmetic3A_601, %add3A_603 : vector<16xi32>
        %shift_right_arithmetic3A_605 = arith.shrsi %xor3A_510, %broadcast_in_dim3A_3 : vector<16xi32>
        %add3A_606 = arith.constant 1024 : i32
        %add3A_607 = vector.broadcast %add3A_606 : i32 to vector<16xi32>
        %add3A_608 = arith.addi %shift_right_arithmetic3A_605, %add3A_607 : vector<16xi32>
        %shift_right_arithmetic3A_609 = arith.shrsi %xor3A_525, %broadcast_in_dim3A_3 : vector<16xi32>
        %add3A_610 = arith.constant 1024 : i32
        %add3A_611 = vector.broadcast %add3A_610 : i32 to vector<16xi32>
        %add3A_612 = arith.addi %shift_right_arithmetic3A_609, %add3A_611 : vector<16xi32>
        %shift_right_arithmetic3A_613 = arith.shrsi %xor3A_540, %broadcast_in_dim3A_3 : vector<16xi32>
        %add3A_614 = arith.constant 1024 : i32
        %add3A_615 = vector.broadcast %add3A_614 : i32 to vector<16xi32>
        %add3A_616 = arith.addi %shift_right_arithmetic3A_613, %add3A_615 : vector<16xi32>
        %shift_right_arithmetic3A_617 = arith.shrsi %xor3A_555, %broadcast_in_dim3A_3 : vector<16xi32>
        %add3A_618 = arith.constant 1024 : i32
        %add3A_619 = vector.broadcast %add3A_618 : i32 to vector<16xi32>
        %add3A_620 = arith.addi %shift_right_arithmetic3A_617, %add3A_619 : vector<16xi32>
        %shift_right_arithmetic3A_621 = arith.shrsi %xor3A_570, %broadcast_in_dim3A_3 : vector<16xi32>
        %add3A_622 = arith.constant 1024 : i32
        %add3A_623 = vector.broadcast %add3A_622 : i32 to vector<16xi32>
        %add3A_624 = arith.addi %shift_right_arithmetic3A_621, %add3A_623 : vector<16xi32>
        %shift_right_arithmetic3A_625 = arith.shrsi %xor3A_585, %broadcast_in_dim3A_3 : vector<16xi32>
        %add3A_626 = arith.constant 1024 : i32
        %add3A_627 = vector.broadcast %add3A_626 : i32 to vector<16xi32>
        %add3A_628 = arith.addi %shift_right_arithmetic3A_625, %add3A_627 : vector<16xi32>
        %shift_right_arithmetic3A_629 = arith.shrsi %xor3A_600, %broadcast_in_dim3A_3 : vector<16xi32>
        %add3A_630 = arith.constant 1024 : i32
        %add3A_631 = vector.broadcast %add3A_630 : i32 to vector<16xi32>
        %add3A_632 = arith.addi %shift_right_arithmetic3A_629, %add3A_631 : vector<16xi32>
        %max3A = arith.maxsi %xor3A_495, %xor3A_510 : vector<16xi32>
        %max3A_633 = arith.maxsi %xor3A_525, %xor3A_540 : vector<16xi32>
        %max3A_634 = arith.maxsi %xor3A_555, %xor3A_570 : vector<16xi32>
        %max3A_635 = arith.maxsi %xor3A_585, %xor3A_600 : vector<16xi32>
        %max3A_636 = arith.maxsi %max3A, %max3A_633 : vector<16xi32>
        %max3A_637 = arith.maxsi %max3A_634, %max3A_635 : vector<16xi32>
        %max3A_638 = arith.maxsi %max3A_636, %max3A_637 : vector<16xi32>
        %max3A_639 = arith.maxsi %scan3A_483, %max3A_638 : vector<16xi32>
        tpu.vector_store_idx %arg5[%add3A_604, %iota3A], %broadcast_in_dim3A_5 {add = true} : memref<2048x16xi32, #tpu.memory_space<vmem>>[vector<16xi32>, vector<16xi32>], vector<16xi32>,
        tpu.vector_store_idx %arg5[%add3A_608, %iota3A], %broadcast_in_dim3A_5 {add = true} : memref<2048x16xi32, #tpu.memory_space<vmem>>[vector<16xi32>, vector<16xi32>], vector<16xi32>,
        tpu.vector_store_idx %arg5[%add3A_612, %iota3A], %broadcast_in_dim3A_5 {add = true} : memref<2048x16xi32, #tpu.memory_space<vmem>>[vector<16xi32>, vector<16xi32>], vector<16xi32>,
        tpu.vector_store_idx %arg5[%add3A_616, %iota3A], %broadcast_in_dim3A_5 {add = true} : memref<2048x16xi32, #tpu.memory_space<vmem>>[vector<16xi32>, vector<16xi32>], vector<16xi32>,
        tpu.vector_store_idx %arg5[%add3A_620, %iota3A], %broadcast_in_dim3A_5 {add = true} : memref<2048x16xi32, #tpu.memory_space<vmem>>[vector<16xi32>, vector<16xi32>], vector<16xi32>,
        tpu.vector_store_idx %arg5[%add3A_624, %iota3A], %broadcast_in_dim3A_5 {add = true} : memref<2048x16xi32, #tpu.memory_space<vmem>>[vector<16xi32>, vector<16xi32>], vector<16xi32>,
        tpu.vector_store_idx %arg5[%add3A_628, %iota3A], %broadcast_in_dim3A_5 {add = true} : memref<2048x16xi32, #tpu.memory_space<vmem>>[vector<16xi32>, vector<16xi32>], vector<16xi32>,
        tpu.vector_store_idx %arg5[%add3A_632, %iota3A], %broadcast_in_dim3A_5 {add = true} : memref<2048x16xi32, #tpu.memory_space<vmem>>[vector<16xi32>, vector<16xi32>], vector<16xi32>,
        scf.yield %max3A_639 : vector<16xi32>
      }
      %scan3A_269 = arith.constant 512 : i32
      %shift_right_arithmetic3A = arith.shrsi %scan3A_268, %broadcast_in_dim3A_3 : vector<16xi32>
      %add3A_270 = arith.constant 1024 : i32
      %add3A_271 = vector.broadcast %add3A_270 : i32 to vector<16xi32>
      %add3A_272 = arith.addi %shift_right_arithmetic3A, %add3A_271 : vector<16xi32>
      %reduce_max3A = arith.constant true
      %reduce_max3A_273 = vector.broadcast %reduce_max3A : i1 to vector<16xi1>
      %reduce_max3A_274 = arith.constant -2147483648 : i32
      %reduce_max3A_275 = vector.broadcast %reduce_max3A_274 : i32 to vector<16xi32>
      %reduce_max3A_276 = arith.xori %add3A_272, %reduce_max3A_275 : vector<16xi32>
      %reduce_max3A_277 = tpu.scan <max>, %reduce_max3A_276 masked %reduce_max3A_273 : vector<16xi32>, vector<16xi1> -> vector<16xi32>
      %reduce_max3A_278 = arith.xori %reduce_max3A_277, %reduce_max3A_275 : vector<16xi32>
      %reduce_max3A_279 = vector.extract %reduce_max3A_278[15] : i32 from vector<16xi32>
      %while3A:4 = scf.while (%while3A_482 = %broadcast_in_dim3A_7, %while3A_483 = %reduce_max3A_279, %while3A_484 = %broadcast_in_dim3A_7, %while3A_485 = %broadcast_in_dim3A_7) : (vector<16xi32>, i32, vector<16xi32>, vector<16xi32>) -> (vector<16xi32>, i32, vector<16xi32>, vector<16xi32>) {
        %lt3A_486 = arith.cmpi slt, %while3A_482, %broadcast_in_dim3A_9 : vector<16xi32>
        %reduce_or3A = arith.constant 1.000000e+00 : f32
        %reduce_or3A_487 = arith.constant 0.000000e+00 : f32
        %reduce_or3A_488 = vector.broadcast %reduce_or3A : f32 to vector<16xf32>
        %reduce_or3A_489 = vector.broadcast %reduce_or3A_487 : f32 to vector<16xf32>
        %reduce_or3A_490 = arith.select %lt3A_486, %reduce_or3A_488, %reduce_or3A_489 : vector<16xi1>, vector<16xf32>
        %reduce_or3A_491 = arith.constant true
        %reduce_or3A_492 = vector.broadcast %reduce_or3A_491 : i1 to vector<16xi1>
        %reduce_or3A_493 = tpu.scan <max>, %reduce_or3A_490 masked %reduce_or3A_492 : vector<16xf32>, vector<16xi1> -> vector<16xf32>
        %reduce_or3A_494 = vector.extract %reduce_or3A_493[15] : f32 from vector<16xf32>
        %reduce_or3A_495 = arith.constant 0.000000e+00 : f32
        %reduce_or3A_496 = arith.cmpf ogt, %reduce_or3A_494, %reduce_or3A_495 : f32
        scf.condition(%reduce_or3A_496) %while3A_482, %while3A_483, %while3A_484, %while3A_485 : vector<16xi32>, i32, vector<16xi32>, vector<16xi32>
      } do {
      ^bb0(%while3A_482: vector<16xi32>, %while3A_483: i32, %while3A_484: vector<16xi32>, %while3A_485: vector<16xi32>):
        %get3A = arith.index_cast %while3A_483 : i32 to index
        %get3A_486 = arith.constant 0 : index
        %get3A_487 = tpu.vector_load %arg5[%get3A, %get3A_486] {strides = array<i32>} : memref<2048x16xi32, #tpu.memory_space<vmem>>, vector<16xi32>,
        %add3A_488 = arith.addi %while3A_482, %get3A_487 : vector<16xi32>
        %lt3A_489 = arith.cmpi slt, %while3A_482, %broadcast_in_dim3A_9 : vector<16xi32>
        %ge3A = arith.cmpi sge, %add3A_488, %broadcast_in_dim3A_9 : vector<16xi32>
        %and3A_490 = arith.andi %lt3A_489, %ge3A : vector<16xi1>
        %broadcast_in_dim3A_491 = vector.broadcast %while3A_483 : i32 to vector<16xi32>
        %select_n3A_492 = arith.select %and3A_490, %broadcast_in_dim3A_491, %while3A_484 : vector<16xi1>, vector<16xi32>
        %select_n3A_493 = arith.select %and3A_490, %while3A_482, %while3A_485 : vector<16xi1>, vector<16xi32>
        %sub3A_494 = arith.constant 1 : i32
        %sub3A_495 = arith.subi %while3A_483, %sub3A_494 : i32
        scf.yield %add3A_488, %sub3A_495, %select_n3A_492, %select_n3A_493 : vector<16xi32>, i32, vector<16xi32>, vector<16xi32>
      }
      %sub3A_280 = arith.subi %broadcast_in_dim3A_9, %while3A#3 : vector<16xi32>
      %scan3A_281 = arith.constant 0 : i32
      %scan3A_282 = arith.constant 512 : i32
      %scan3A_283 = arith.addi %scan3A_281, %scan3A_282 : i32
      %scan3A_284 = arith.constant 1 : i32
      %scan3A_285 = scf.for %scan3A_482 = %scan3A_281 to %scan3A_283 step %scan3A_284 iter_args(%scan3A_483 = %broadcast_in_dim3A_7) -> (vector<16xi32>)  : i32 {
        %mul3A_484 = arith.constant 8 : i32
        %mul3A_485 = arith.muli %scan3A_482, %mul3A_484 : i32
        %add3A_486 = arith.constant 0 : i32
        %add3A_487 = arith.addi %mul3A_485, %add3A_486 : i32
        %get3A = arith.index_cast %add3A_487 : i32 to index
        %get3A_488 = arith.constant 0 : index
        %get3A_489 = tpu.vector_load %arg4[%get3A, %get3A_488] {strides = array<i32>} : memref<4096x16xf32, #tpu.memory_space<vmem>>, vector<16xf32>,
        %bitcast_convert_type3A = tpu.bitcast %get3A_489 : vector<16xf32> -> vector<16xi32>
        %broadcast_in_dim3A_490 = arith.constant 31 : i32
        %broadcast_in_dim3A_491 = vector.broadcast %broadcast_in_dim3A_490 : i32 to vector<16xi32>
        %shift_right_arithmetic3A_492 = arith.shrsi %bitcast_convert_type3A, %broadcast_in_dim3A_491 : vector<16xi32>
        %broadcast_in_dim3A_493 = arith.constant 1 : i32
        %broadcast_in_dim3A_494 = vector.broadcast %broadcast_in_dim3A_493 : i32 to vector<16xi32>
        %shift_right_logical3A = arith.shrui %shift_right_arithmetic3A_492, %broadcast_in_dim3A_494 : vector<16xi32>
        %xor3A_495 = arith.xori %bitcast_convert_type3A, %shift_right_logical3A : vector<16xi32>
        %mul3A_496 = arith.constant 8 : i32
        %mul3A_497 = arith.muli %scan3A_482, %mul3A_496 : i32
        %add3A_498 = arith.constant 1 : i32
        %add3A_499 = arith.addi %mul3A_497, %add3A_498 : i32
        %get3A_500 = arith.index_cast %add3A_499 : i32 to index
        %get3A_501 = arith.constant 0 : index
        %get3A_502 = tpu.vector_load %arg4[%get3A_500, %get3A_501] {strides = array<i32>} : memref<4096x16xf32, #tpu.memory_space<vmem>>, vector<16xf32>,
        %bitcast_convert_type3A_503 = tpu.bitcast %get3A_502 : vector<16xf32> -> vector<16xi32>
        %broadcast_in_dim3A_504 = arith.constant 31 : i32
        %broadcast_in_dim3A_505 = vector.broadcast %broadcast_in_dim3A_504 : i32 to vector<16xi32>
        %shift_right_arithmetic3A_506 = arith.shrsi %bitcast_convert_type3A_503, %broadcast_in_dim3A_505 : vector<16xi32>
        %broadcast_in_dim3A_507 = arith.constant 1 : i32
        %broadcast_in_dim3A_508 = vector.broadcast %broadcast_in_dim3A_507 : i32 to vector<16xi32>
        %shift_right_logical3A_509 = arith.shrui %shift_right_arithmetic3A_506, %broadcast_in_dim3A_508 : vector<16xi32>
        %xor3A_510 = arith.xori %bitcast_convert_type3A_503, %shift_right_logical3A_509 : vector<16xi32>
        %mul3A_511 = arith.constant 8 : i32
        %mul3A_512 = arith.muli %scan3A_482, %mul3A_511 : i32
        %add3A_513 = arith.constant 2 : i32
        %add3A_514 = arith.addi %mul3A_512, %add3A_513 : i32
        %get3A_515 = arith.index_cast %add3A_514 : i32 to index
        %get3A_516 = arith.constant 0 : index
        %get3A_517 = tpu.vector_load %arg4[%get3A_515, %get3A_516] {strides = array<i32>} : memref<4096x16xf32, #tpu.memory_space<vmem>>, vector<16xf32>,
        %bitcast_convert_type3A_518 = tpu.bitcast %get3A_517 : vector<16xf32> -> vector<16xi32>
        %broadcast_in_dim3A_519 = arith.constant 31 : i32
        %broadcast_in_dim3A_520 = vector.broadcast %broadcast_in_dim3A_519 : i32 to vector<16xi32>
        %shift_right_arithmetic3A_521 = arith.shrsi %bitcast_convert_type3A_518, %broadcast_in_dim3A_520 : vector<16xi32>
        %broadcast_in_dim3A_522 = arith.constant 1 : i32
        %broadcast_in_dim3A_523 = vector.broadcast %broadcast_in_dim3A_522 : i32 to vector<16xi32>
        %shift_right_logical3A_524 = arith.shrui %shift_right_arithmetic3A_521, %broadcast_in_dim3A_523 : vector<16xi32>
        %xor3A_525 = arith.xori %bitcast_convert_type3A_518, %shift_right_logical3A_524 : vector<16xi32>
        %mul3A_526 = arith.constant 8 : i32
        %mul3A_527 = arith.muli %scan3A_482, %mul3A_526 : i32
        %add3A_528 = arith.constant 3 : i32
        %add3A_529 = arith.addi %mul3A_527, %add3A_528 : i32
        %get3A_530 = arith.index_cast %add3A_529 : i32 to index
        %get3A_531 = arith.constant 0 : index
        %get3A_532 = tpu.vector_load %arg4[%get3A_530, %get3A_531] {strides = array<i32>} : memref<4096x16xf32, #tpu.memory_space<vmem>>, vector<16xf32>,
        %bitcast_convert_type3A_533 = tpu.bitcast %get3A_532 : vector<16xf32> -> vector<16xi32>
        %broadcast_in_dim3A_534 = arith.constant 31 : i32
        %broadcast_in_dim3A_535 = vector.broadcast %broadcast_in_dim3A_534 : i32 to vector<16xi32>
        %shift_right_arithmetic3A_536 = arith.shrsi %bitcast_convert_type3A_533, %broadcast_in_dim3A_535 : vector<16xi32>
        %broadcast_in_dim3A_537 = arith.constant 1 : i32
        %broadcast_in_dim3A_538 = vector.broadcast %broadcast_in_dim3A_537 : i32 to vector<16xi32>
        %shift_right_logical3A_539 = arith.shrui %shift_right_arithmetic3A_536, %broadcast_in_dim3A_538 : vector<16xi32>
        %xor3A_540 = arith.xori %bitcast_convert_type3A_533, %shift_right_logical3A_539 : vector<16xi32>
        %mul3A_541 = arith.constant 8 : i32
        %mul3A_542 = arith.muli %scan3A_482, %mul3A_541 : i32
        %add3A_543 = arith.constant 4 : i32
        %add3A_544 = arith.addi %mul3A_542, %add3A_543 : i32
        %get3A_545 = arith.index_cast %add3A_544 : i32 to index
        %get3A_546 = arith.constant 0 : index
        %get3A_547 = tpu.vector_load %arg4[%get3A_545, %get3A_546] {strides = array<i32>} : memref<4096x16xf32, #tpu.memory_space<vmem>>, vector<16xf32>,
        %bitcast_convert_type3A_548 = tpu.bitcast %get3A_547 : vector<16xf32> -> vector<16xi32>
        %broadcast_in_dim3A_549 = arith.constant 31 : i32
        %broadcast_in_dim3A_550 = vector.broadcast %broadcast_in_dim3A_549 : i32 to vector<16xi32>
        %shift_right_arithmetic3A_551 = arith.shrsi %bitcast_convert_type3A_548, %broadcast_in_dim3A_550 : vector<16xi32>
        %broadcast_in_dim3A_552 = arith.constant 1 : i32
        %broadcast_in_dim3A_553 = vector.broadcast %broadcast_in_dim3A_552 : i32 to vector<16xi32>
        %shift_right_logical3A_554 = arith.shrui %shift_right_arithmetic3A_551, %broadcast_in_dim3A_553 : vector<16xi32>
        %xor3A_555 = arith.xori %bitcast_convert_type3A_548, %shift_right_logical3A_554 : vector<16xi32>
        %mul3A_556 = arith.constant 8 : i32
        %mul3A_557 = arith.muli %scan3A_482, %mul3A_556 : i32
        %add3A_558 = arith.constant 5 : i32
        %add3A_559 = arith.addi %mul3A_557, %add3A_558 : i32
        %get3A_560 = arith.index_cast %add3A_559 : i32 to index
        %get3A_561 = arith.constant 0 : index
        %get3A_562 = tpu.vector_load %arg4[%get3A_560, %get3A_561] {strides = array<i32>} : memref<4096x16xf32, #tpu.memory_space<vmem>>, vector<16xf32>,
        %bitcast_convert_type3A_563 = tpu.bitcast %get3A_562 : vector<16xf32> -> vector<16xi32>
        %broadcast_in_dim3A_564 = arith.constant 31 : i32
        %broadcast_in_dim3A_565 = vector.broadcast %broadcast_in_dim3A_564 : i32 to vector<16xi32>
        %shift_right_arithmetic3A_566 = arith.shrsi %bitcast_convert_type3A_563, %broadcast_in_dim3A_565 : vector<16xi32>
        %broadcast_in_dim3A_567 = arith.constant 1 : i32
        %broadcast_in_dim3A_568 = vector.broadcast %broadcast_in_dim3A_567 : i32 to vector<16xi32>
        %shift_right_logical3A_569 = arith.shrui %shift_right_arithmetic3A_566, %broadcast_in_dim3A_568 : vector<16xi32>
        %xor3A_570 = arith.xori %bitcast_convert_type3A_563, %shift_right_logical3A_569 : vector<16xi32>
        %mul3A_571 = arith.constant 8 : i32
        %mul3A_572 = arith.muli %scan3A_482, %mul3A_571 : i32
        %add3A_573 = arith.constant 6 : i32
        %add3A_574 = arith.addi %mul3A_572, %add3A_573 : i32
        %get3A_575 = arith.index_cast %add3A_574 : i32 to index
        %get3A_576 = arith.constant 0 : index
        %get3A_577 = tpu.vector_load %arg4[%get3A_575, %get3A_576] {strides = array<i32>} : memref<4096x16xf32, #tpu.memory_space<vmem>>, vector<16xf32>,
        %bitcast_convert_type3A_578 = tpu.bitcast %get3A_577 : vector<16xf32> -> vector<16xi32>
        %broadcast_in_dim3A_579 = arith.constant 31 : i32
        %broadcast_in_dim3A_580 = vector.broadcast %broadcast_in_dim3A_579 : i32 to vector<16xi32>
        %shift_right_arithmetic3A_581 = arith.shrsi %bitcast_convert_type3A_578, %broadcast_in_dim3A_580 : vector<16xi32>
        %broadcast_in_dim3A_582 = arith.constant 1 : i32
        %broadcast_in_dim3A_583 = vector.broadcast %broadcast_in_dim3A_582 : i32 to vector<16xi32>
        %shift_right_logical3A_584 = arith.shrui %shift_right_arithmetic3A_581, %broadcast_in_dim3A_583 : vector<16xi32>
        %xor3A_585 = arith.xori %bitcast_convert_type3A_578, %shift_right_logical3A_584 : vector<16xi32>
        %mul3A_586 = arith.constant 8 : i32
        %mul3A_587 = arith.muli %scan3A_482, %mul3A_586 : i32
        %add3A_588 = arith.constant 7 : i32
        %add3A_589 = arith.addi %mul3A_587, %add3A_588 : i32
        %get3A_590 = arith.index_cast %add3A_589 : i32 to index
        %get3A_591 = arith.constant 0 : index
        %get3A_592 = tpu.vector_load %arg4[%get3A_590, %get3A_591] {strides = array<i32>} : memref<4096x16xf32, #tpu.memory_space<vmem>>, vector<16xf32>,
        %bitcast_convert_type3A_593 = tpu.bitcast %get3A_592 : vector<16xf32> -> vector<16xi32>
        %broadcast_in_dim3A_594 = arith.constant 31 : i32
        %broadcast_in_dim3A_595 = vector.broadcast %broadcast_in_dim3A_594 : i32 to vector<16xi32>
        %shift_right_arithmetic3A_596 = arith.shrsi %bitcast_convert_type3A_593, %broadcast_in_dim3A_595 : vector<16xi32>
        %broadcast_in_dim3A_597 = arith.constant 1 : i32
        %broadcast_in_dim3A_598 = vector.broadcast %broadcast_in_dim3A_597 : i32 to vector<16xi32>
        %shift_right_logical3A_599 = arith.shrui %shift_right_arithmetic3A_596, %broadcast_in_dim3A_598 : vector<16xi32>
        %xor3A_600 = arith.xori %bitcast_convert_type3A_593, %shift_right_logical3A_599 : vector<16xi32>
        %shift_right_arithmetic3A_601 = arith.shrsi %xor3A_495, %broadcast_in_dim3A_3 : vector<16xi32>
        %add3A_602 = arith.constant 1024 : i32
        %add3A_603 = vector.broadcast %add3A_602 : i32 to vector<16xi32>
        %add3A_604 = arith.addi %shift_right_arithmetic3A_601, %add3A_603 : vector<16xi32>
        %ge3A = arith.cmpi sge, %add3A_604, %while3A#2 : vector<16xi32>
        %convert_element_type3A = arith.extui %ge3A : vector<16xi1> to vector<16xi32>
        %shift_right_arithmetic3A_605 = arith.shrsi %xor3A_510, %broadcast_in_dim3A_3 : vector<16xi32>
        %add3A_606 = arith.constant 1024 : i32
        %add3A_607 = vector.broadcast %add3A_606 : i32 to vector<16xi32>
        %add3A_608 = arith.addi %shift_right_arithmetic3A_605, %add3A_607 : vector<16xi32>
        %ge3A_609 = arith.cmpi sge, %add3A_608, %while3A#2 : vector<16xi32>
        %convert_element_type3A_610 = arith.extui %ge3A_609 : vector<16xi1> to vector<16xi32>
        %shift_right_arithmetic3A_611 = arith.shrsi %xor3A_525, %broadcast_in_dim3A_3 : vector<16xi32>
        %add3A_612 = arith.constant 1024 : i32
        %add3A_613 = vector.broadcast %add3A_612 : i32 to vector<16xi32>
        %add3A_614 = arith.addi %shift_right_arithmetic3A_611, %add3A_613 : vector<16xi32>
        %ge3A_615 = arith.cmpi sge, %add3A_614, %while3A#2 : vector<16xi32>
        %convert_element_type3A_616 = arith.extui %ge3A_615 : vector<16xi1> to vector<16xi32>
        %shift_right_arithmetic3A_617 = arith.shrsi %xor3A_540, %broadcast_in_dim3A_3 : vector<16xi32>
        %add3A_618 = arith.constant 1024 : i32
        %add3A_619 = vector.broadcast %add3A_618 : i32 to vector<16xi32>
        %add3A_620 = arith.addi %shift_right_arithmetic3A_617, %add3A_619 : vector<16xi32>
        %ge3A_621 = arith.cmpi sge, %add3A_620, %while3A#2 : vector<16xi32>
        %convert_element_type3A_622 = arith.extui %ge3A_621 : vector<16xi1> to vector<16xi32>
        %shift_right_arithmetic3A_623 = arith.shrsi %xor3A_555, %broadcast_in_dim3A_3 : vector<16xi32>
        %add3A_624 = arith.constant 1024 : i32
        %add3A_625 = vector.broadcast %add3A_624 : i32 to vector<16xi32>
        %add3A_626 = arith.addi %shift_right_arithmetic3A_623, %add3A_625 : vector<16xi32>
        %ge3A_627 = arith.cmpi sge, %add3A_626, %while3A#2 : vector<16xi32>
        %convert_element_type3A_628 = arith.extui %ge3A_627 : vector<16xi1> to vector<16xi32>
        %shift_right_arithmetic3A_629 = arith.shrsi %xor3A_570, %broadcast_in_dim3A_3 : vector<16xi32>
        %add3A_630 = arith.constant 1024 : i32
        %add3A_631 = vector.broadcast %add3A_630 : i32 to vector<16xi32>
        %add3A_632 = arith.addi %shift_right_arithmetic3A_629, %add3A_631 : vector<16xi32>
        %ge3A_633 = arith.cmpi sge, %add3A_632, %while3A#2 : vector<16xi32>
        %convert_element_type3A_634 = arith.extui %ge3A_633 : vector<16xi1> to vector<16xi32>
        %shift_right_arithmetic3A_635 = arith.shrsi %xor3A_585, %broadcast_in_dim3A_3 : vector<16xi32>
        %add3A_636 = arith.constant 1024 : i32
        %add3A_637 = vector.broadcast %add3A_636 : i32 to vector<16xi32>
        %add3A_638 = arith.addi %shift_right_arithmetic3A_635, %add3A_637 : vector<16xi32>
        %ge3A_639 = arith.cmpi sge, %add3A_638, %while3A#2 : vector<16xi32>
        %convert_element_type3A_640 = arith.extui %ge3A_639 : vector<16xi1> to vector<16xi32>
        %shift_right_arithmetic3A_641 = arith.shrsi %xor3A_600, %broadcast_in_dim3A_3 : vector<16xi32>
        %add3A_642 = arith.constant 1024 : i32
        %add3A_643 = vector.broadcast %add3A_642 : i32 to vector<16xi32>
        %add3A_644 = arith.addi %shift_right_arithmetic3A_641, %add3A_643 : vector<16xi32>
        %ge3A_645 = arith.cmpi sge, %add3A_644, %while3A#2 : vector<16xi32>
        %convert_element_type3A_646 = arith.extui %ge3A_645 : vector<16xi1> to vector<16xi32>
        %add3A_647 = arith.addi %scan3A_483, %convert_element_type3A : vector<16xi32>
        %add3A_648 = arith.addi %add3A_647, %convert_element_type3A_610 : vector<16xi32>
        %add3A_649 = arith.addi %add3A_648, %convert_element_type3A_616 : vector<16xi32>
        %add3A_650 = arith.addi %add3A_649, %convert_element_type3A_622 : vector<16xi32>
        %add3A_651 = arith.addi %add3A_650, %convert_element_type3A_628 : vector<16xi32>
        %add3A_652 = arith.addi %add3A_651, %convert_element_type3A_634 : vector<16xi32>
        %add3A_653 = arith.addi %add3A_652, %convert_element_type3A_640 : vector<16xi32>
        %add3A_654 = arith.addi %add3A_653, %convert_element_type3A_646 : vector<16xi32>
        %gt3A = arith.constant 0 : i32
        %gt3A_655 = vector.broadcast %gt3A : i32 to vector<16xi32>
        %gt3A_656 = arith.cmpi sgt, %convert_element_type3A, %gt3A_655 : vector<16xi32>
        %lt3A_657 = arith.constant 512 : i32
        %lt3A_658 = vector.broadcast %lt3A_657 : i32 to vector<16xi32>
        %lt3A_659 = arith.cmpi slt, %scan3A_483, %lt3A_658 : vector<16xi32>
        %and3A_660 = arith.andi %gt3A_656, %lt3A_659 : vector<16xi1>
        tpu.vector_store_idx %arg7[%scan3A_483, %iota3A], %xor3A_495 masked %and3A_660 : memref<512x16xi32, #tpu.memory_space<vmem>>[vector<16xi32>, vector<16xi32>], vector<16xi32>, vector<16xi1>
        %gt3A_661 = arith.constant 0 : i32
        %gt3A_662 = vector.broadcast %gt3A_661 : i32 to vector<16xi32>
        %gt3A_663 = arith.cmpi sgt, %convert_element_type3A_610, %gt3A_662 : vector<16xi32>
        %lt3A_664 = arith.constant 512 : i32
        %lt3A_665 = vector.broadcast %lt3A_664 : i32 to vector<16xi32>
        %lt3A_666 = arith.cmpi slt, %add3A_647, %lt3A_665 : vector<16xi32>
        %and3A_667 = arith.andi %gt3A_663, %lt3A_666 : vector<16xi1>
        tpu.vector_store_idx %arg7[%add3A_647, %iota3A], %xor3A_510 masked %and3A_667 : memref<512x16xi32, #tpu.memory_space<vmem>>[vector<16xi32>, vector<16xi32>], vector<16xi32>, vector<16xi1>
        %gt3A_668 = arith.constant 0 : i32
        %gt3A_669 = vector.broadcast %gt3A_668 : i32 to vector<16xi32>
        %gt3A_670 = arith.cmpi sgt, %convert_element_type3A_616, %gt3A_669 : vector<16xi32>
        %lt3A_671 = arith.constant 512 : i32
        %lt3A_672 = vector.broadcast %lt3A_671 : i32 to vector<16xi32>
        %lt3A_673 = arith.cmpi slt, %add3A_648, %lt3A_672 : vector<16xi32>
        %and3A_674 = arith.andi %gt3A_670, %lt3A_673 : vector<16xi1>
        tpu.vector_store_idx %arg7[%add3A_648, %iota3A], %xor3A_525 masked %and3A_674 : memref<512x16xi32, #tpu.memory_space<vmem>>[vector<16xi32>, vector<16xi32>], vector<16xi32>, vector<16xi1>
        %gt3A_675 = arith.constant 0 : i32
        %gt3A_676 = vector.broadcast %gt3A_675 : i32 to vector<16xi32>
        %gt3A_677 = arith.cmpi sgt, %convert_element_type3A_622, %gt3A_676 : vector<16xi32>
        %lt3A_678 = arith.constant 512 : i32
        %lt3A_679 = vector.broadcast %lt3A_678 : i32 to vector<16xi32>
        %lt3A_680 = arith.cmpi slt, %add3A_649, %lt3A_679 : vector<16xi32>
        %and3A_681 = arith.andi %gt3A_677, %lt3A_680 : vector<16xi1>
        tpu.vector_store_idx %arg7[%add3A_649, %iota3A], %xor3A_540 masked %and3A_681 : memref<512x16xi32, #tpu.memory_space<vmem>>[vector<16xi32>, vector<16xi32>], vector<16xi32>, vector<16xi1>
        %gt3A_682 = arith.constant 0 : i32
        %gt3A_683 = vector.broadcast %gt3A_682 : i32 to vector<16xi32>
        %gt3A_684 = arith.cmpi sgt, %convert_element_type3A_628, %gt3A_683 : vector<16xi32>
        %lt3A_685 = arith.constant 512 : i32
        %lt3A_686 = vector.broadcast %lt3A_685 : i32 to vector<16xi32>
        %lt3A_687 = arith.cmpi slt, %add3A_650, %lt3A_686 : vector<16xi32>
        %and3A_688 = arith.andi %gt3A_684, %lt3A_687 : vector<16xi1>
        tpu.vector_store_idx %arg7[%add3A_650, %iota3A], %xor3A_555 masked %and3A_688 : memref<512x16xi32, #tpu.memory_space<vmem>>[vector<16xi32>, vector<16xi32>], vector<16xi32>, vector<16xi1>
        %gt3A_689 = arith.constant 0 : i32
        %gt3A_690 = vector.broadcast %gt3A_689 : i32 to vector<16xi32>
        %gt3A_691 = arith.cmpi sgt, %convert_element_type3A_634, %gt3A_690 : vector<16xi32>
        %lt3A_692 = arith.constant 512 : i32
        %lt3A_693 = vector.broadcast %lt3A_692 : i32 to vector<16xi32>
        %lt3A_694 = arith.cmpi slt, %add3A_651, %lt3A_693 : vector<16xi32>
        %and3A_695 = arith.andi %gt3A_691, %lt3A_694 : vector<16xi1>
        tpu.vector_store_idx %arg7[%add3A_651, %iota3A], %xor3A_570 masked %and3A_695 : memref<512x16xi32, #tpu.memory_space<vmem>>[vector<16xi32>, vector<16xi32>], vector<16xi32>, vector<16xi1>
        %gt3A_696 = arith.constant 0 : i32
        %gt3A_697 = vector.broadcast %gt3A_696 : i32 to vector<16xi32>
        %gt3A_698 = arith.cmpi sgt, %convert_element_type3A_640, %gt3A_697 : vector<16xi32>
        %lt3A_699 = arith.constant 512 : i32
        %lt3A_700 = vector.broadcast %lt3A_699 : i32 to vector<16xi32>
        %lt3A_701 = arith.cmpi slt, %add3A_652, %lt3A_700 : vector<16xi32>
        %and3A_702 = arith.andi %gt3A_698, %lt3A_701 : vector<16xi1>
        tpu.vector_store_idx %arg7[%add3A_652, %iota3A], %xor3A_585 masked %and3A_702 : memref<512x16xi32, #tpu.memory_space<vmem>>[vector<16xi32>, vector<16xi32>], vector<16xi32>, vector<16xi1>
        %gt3A_703 = arith.constant 0 : i32
        %gt3A_704 = vector.broadcast %gt3A_703 : i32 to vector<16xi32>
        %gt3A_705 = arith.cmpi sgt, %convert_element_type3A_646, %gt3A_704 : vector<16xi32>
        %lt3A_706 = arith.constant 512 : i32
        %lt3A_707 = vector.broadcast %lt3A_706 : i32 to vector<16xi32>
        %lt3A_708 = arith.cmpi slt, %add3A_653, %lt3A_707 : vector<16xi32>
        %and3A_709 = arith.andi %gt3A_705, %lt3A_708 : vector<16xi1>
        tpu.vector_store_idx %arg7[%add3A_653, %iota3A], %xor3A_600 masked %and3A_709 : memref<512x16xi32, #tpu.memory_space<vmem>>[vector<16xi32>, vector<16xi32>], vector<16xi32>, vector<16xi1>
        %broadcast_in_dim3A_710 = arith.constant 512 : i32
        %broadcast_in_dim3A_711 = vector.broadcast %broadcast_in_dim3A_710 : i32 to vector<16xi32>
        %min3A_712 = arith.minsi %add3A_654, %broadcast_in_dim3A_711 : vector<16xi32>
        scf.yield %min3A_712 : vector<16xi32>
      }
      %scan3A_286 = arith.constant 512 : i32
      %add3A_287 = arith.constant 1 : i32
      %add3A_288 = arith.addi %add3A_148, %add3A_287 : i32
      %mul3A_289 = arith.constant 8 : i32
      %mul3A_290 = arith.muli %add3A, %mul3A_289 : i32
      %add3A_291 = arith.constant 8 : i32
      %add3A_292 = arith.addi %mul3A_290, %add3A_291 : i32
      %sub3A_293 = arith.constant 1 : i32
      %sub3A_294 = arith.subi %add3A_292, %sub3A_293 : i32
      %min3A = arith.minsi %add3A_288, %sub3A_294 : i32
      %jit3A_295 = arith.constant 64 : i32
      %div3A_296 = arith.divsi %min3A, %jit3A_295 : i32
      %sign3A_297 = arith.constant 0 : i32
      %sign3A_298 = arith.cmpi sgt, %min3A, %sign3A_297 : i32
      %sign3A_299 = arith.extui %sign3A_298 : i1 to i32
      %sign3A_300 = arith.constant 0 : i32
      %sign3A_301 = arith.cmpi slt, %min3A, %sign3A_300 : i32
      %sign3A_302 = arith.extui %sign3A_301 : i1 to i32
      %sign3A_303 = arith.subi %sign3A_299, %sign3A_302 : i32
      %sign3A_304 = arith.constant 0 : i32
      %sign3A_305 = arith.cmpi sgt, %jit3A_295, %sign3A_304 : i32
      %sign3A_306 = arith.extui %sign3A_305 : i1 to i32
      %sign3A_307 = arith.constant 0 : i32
      %sign3A_308 = arith.cmpi slt, %jit3A_295, %sign3A_307 : i32
      %sign3A_309 = arith.extui %sign3A_308 : i1 to i32
      %sign3A_310 = arith.subi %sign3A_306, %sign3A_309 : i32
      %ne3A_311 = arith.cmpi ne, %sign3A_303, %sign3A_310 : i32
      %rem3A_312 = arith.remsi %min3A, %jit3A_295 : i32
      %ne3A_313 = arith.constant 0 : i32
      %ne3A_314 = arith.cmpi ne, %rem3A_312, %ne3A_313 : i32
      %and3A_315 = arith.andi %ne3A_311, %ne3A_314 : i1
      %sub3A_316 = arith.constant 1 : i32
      %sub3A_317 = arith.subi %div3A_296, %sub3A_316 : i32
      %select_n3A_318 = arith.select %and3A_315, %sub3A_317, %div3A_296 : i32
      %jit3A_319 = arith.constant 64 : i32
      %eq3A_320 = arith.constant 0 : i32
      %eq3A_321 = arith.cmpi eq, %jit3A_319, %eq3A_320 : i32
      %jit3A_322 = arith.constant 1 : i32
      %select_n3A_323 = arith.select %eq3A_321, %jit3A_322, %jit3A_319 : i32
      %rem3A_324 = arith.remsi %min3A, %select_n3A_323 : i32
      %ne3A_325 = arith.constant 0 : i32
      %ne3A_326 = arith.cmpi ne, %rem3A_324, %ne3A_325 : i32
      %lt3A_327 = arith.constant 0 : i32
      %lt3A_328 = arith.cmpi slt, %rem3A_324, %lt3A_327 : i32
      %lt3A_329 = arith.constant 0 : i32
      %lt3A_330 = arith.cmpi slt, %select_n3A_323, %lt3A_329 : i32
      %ne3A_331 = arith.xori %lt3A_328, %lt3A_330 : i1
      %and3A_332 = arith.andi %ne3A_331, %ne3A_326 : i1
      %add3A_333 = arith.addi %rem3A_324, %select_n3A_323 : i32
      %select_n3A_334 = arith.select %and3A_332, %add3A_333, %rem3A_324 : i32
      %mul3A_335 = arith.constant 16 : i32
      %mul3A_336 = arith.muli %select_n3A_334, %mul3A_335 : i32
      %dma_start3A_337 = arith.constant 0 : i32
      %dma_start3A_338 = arith.constant 0 : i32
      %dma_start3A_339 = tpu.memref_slice %arg4[%dma_start3A_337, %dma_start3A_338] : memref<4096x16xf32, #tpu.memory_space<vmem>> -> memref<2048x16xf32, #tpu.memory_space<vmem>>
      %dma_start3A_340 = arith.constant 0 : i32
      %dma_start3A_341 = tpu.memref_slice %arg2[%select_n3A_318, %dma_start3A_340, %mul3A_336] : memref<4x4096x1024xf32, #tpu.memory_space<hbm>> -> memref<1x2048x16xf32, #tpu.memory_space<hbm>>
      %dma_start3A_342 = tpu.memref_squeeze %dma_start3A_341 : memref<1x2048x16xf32, #tpu.memory_space<hbm>> -> memref<2048x16xf32, #tpu.memory_space<hbm>>
      %dma_start3A_343 = arith.constant 0 : i32
      %dma_start3A_344 = arith.constant 0 : i32
      %dma_start3A_345 = tpu.memref_slice %arg4[%dma_start3A_343, %dma_start3A_344] : memref<4096x16xf32, #tpu.memory_space<vmem>> -> memref<2048x16xf32, #tpu.memory_space<vmem>>
      %dma_start3A_346 = arith.constant 0 : i32
      %dma_start3A_347 = tpu.memref_slice %arg2[%select_n3A_318, %dma_start3A_346, %mul3A_336] : memref<4x4096x1024xf32, #tpu.memory_space<hbm>> -> memref<1x2048x16xf32, #tpu.memory_space<hbm>>
      %dma_start3A_348 = tpu.memref_squeeze %dma_start3A_347 : memref<1x2048x16xf32, #tpu.memory_space<hbm>> -> memref<2048x16xf32, #tpu.memory_space<hbm>>
      tpu.enqueue_dma source(%dma_start3A_348 : memref<2048x16xf32, #tpu.memory_space<hbm>>) target(%dma_start3A_345 : memref<2048x16xf32, #tpu.memory_space<vmem>>) target_semaphore(%arg10 : memref<!tpu.dma_semaphore, #tpu.memory_space<semaphore_mem>>)
      %mul3A_349 = arith.constant 16 : i32
      %mul3A_350 = arith.muli %select_n3A_334, %mul3A_349 : i32
      %dma_start3A_351 = arith.constant 2048 : i32
      %dma_start3A_352 = arith.constant 0 : i32
      %dma_start3A_353 = tpu.memref_slice %arg4[%dma_start3A_351, %dma_start3A_352] : memref<4096x16xf32, #tpu.memory_space<vmem>> -> memref<2048x16xf32, #tpu.memory_space<vmem>>
      %dma_start3A_354 = arith.constant 2048 : i32
      %dma_start3A_355 = tpu.memref_slice %arg2[%select_n3A_318, %dma_start3A_354, %mul3A_350] : memref<4x4096x1024xf32, #tpu.memory_space<hbm>> -> memref<1x2048x16xf32, #tpu.memory_space<hbm>>
      %dma_start3A_356 = tpu.memref_squeeze %dma_start3A_355 : memref<1x2048x16xf32, #tpu.memory_space<hbm>> -> memref<2048x16xf32, #tpu.memory_space<hbm>>
      %dma_start3A_357 = arith.constant 2048 : i32
      %dma_start3A_358 = arith.constant 0 : i32
      %dma_start3A_359 = tpu.memref_slice %arg4[%dma_start3A_357, %dma_start3A_358] : memref<4096x16xf32, #tpu.memory_space<vmem>> -> memref<2048x16xf32, #tpu.memory_space<vmem>>
      %dma_start3A_360 = arith.constant 2048 : i32
      %dma_start3A_361 = tpu.memref_slice %arg2[%select_n3A_318, %dma_start3A_360, %mul3A_350] : memref<4x4096x1024xf32, #tpu.memory_space<hbm>> -> memref<1x2048x16xf32, #tpu.memory_space<hbm>>
      %dma_start3A_362 = tpu.memref_squeeze %dma_start3A_361 : memref<1x2048x16xf32, #tpu.memory_space<hbm>> -> memref<2048x16xf32, #tpu.memory_space<hbm>>
      tpu.enqueue_dma source(%dma_start3A_362 : memref<2048x16xf32, #tpu.memory_space<hbm>>) target(%dma_start3A_359 : memref<2048x16xf32, #tpu.memory_space<vmem>>) target_semaphore(%arg11 : memref<!tpu.dma_semaphore, #tpu.memory_space<semaphore_mem>>)
      %reduce_max3A_363 = arith.constant true
      %reduce_max3A_364 = vector.broadcast %reduce_max3A_363 : i1 to vector<16xi1>
      %reduce_max3A_365 = arith.constant -2147483648 : i32
      %reduce_max3A_366 = vector.broadcast %reduce_max3A_365 : i32 to vector<16xi32>
      %reduce_max3A_367 = arith.xori %scan3A_285, %reduce_max3A_366 : vector<16xi32>
      %reduce_max3A_368 = tpu.scan <max>, %reduce_max3A_367 masked %reduce_max3A_364 : vector<16xi32>, vector<16xi1> -> vector<16xi32>
      %reduce_max3A_369 = arith.xori %reduce_max3A_368, %reduce_max3A_366 : vector<16xi32>
      %reduce_max3A_370 = vector.extract %reduce_max3A_369[15] : i32 from vector<16xi32>
      %scan3A_371 = arith.constant 0 : i32
      %scan3A_372 = arith.constant 0 : i32
      %scan3A_373 = arith.constant 128 : i32
      %scan3A_374 = arith.addi %scan3A_372, %scan3A_373 : i32
      %scan3A_375 = arith.constant 4 : i32
      %scan3A_376 = scf.for %scan3A_482 = %scan3A_372 to %scan3A_374 step %scan3A_375 iter_args(%scan3A_483 = %scan3A_371) -> (i32)  : i32 {
        %swap3A = arith.index_cast %scan3A_482 : i32 to index
        %swap3A_484 = arith.constant 0 : index
        %swap3A_485 = tpu.vector_load %arg6[%swap3A, %swap3A_484] {strides = array<i32>} : memref<128x16xi32, #tpu.memory_space<vmem>>, vector<16xi32>,
        tpu.vector_store %arg6[%swap3A, %swap3A_484], %broadcast_in_dim3A_7 {strides = array<i32>} : memref<128x16xi32, #tpu.memory_space<vmem>>, vector<16xi32>,
        %scan3A_486 = arith.constant 0 : i32
        %scan3A_487 = arith.constant 1 : i32
        %scan3A_488 = arith.addi %scan3A_482, %scan3A_487 : i32
        %swap3A_489 = arith.index_cast %scan3A_488 : i32 to index
        %swap3A_490 = arith.constant 0 : index
        %swap3A_491 = tpu.vector_load %arg6[%swap3A_489, %swap3A_490] {strides = array<i32>} : memref<128x16xi32, #tpu.memory_space<vmem>>, vector<16xi32>,
        tpu.vector_store %arg6[%swap3A_489, %swap3A_490], %broadcast_in_dim3A_7 {strides = array<i32>} : memref<128x16xi32, #tpu.memory_space<vmem>>, vector<16xi32>,
        %scan3A_492 = arith.constant 0 : i32
        %scan3A_493 = arith.constant 2 : i32
        %scan3A_494 = arith.addi %scan3A_482, %scan3A_493 : i32
        %swap3A_495 = arith.index_cast %scan3A_494 : i32 to index
        %swap3A_496 = arith.constant 0 : index
        %swap3A_497 = tpu.vector_load %arg6[%swap3A_495, %swap3A_496] {strides = array<i32>} : memref<128x16xi32, #tpu.memory_space<vmem>>, vector<16xi32>,
        tpu.vector_store %arg6[%swap3A_495, %swap3A_496], %broadcast_in_dim3A_7 {strides = array<i32>} : memref<128x16xi32, #tpu.memory_space<vmem>>, vector<16xi32>,
        %scan3A_498 = arith.constant 0 : i32
        %scan3A_499 = arith.constant 3 : i32
        %scan3A_500 = arith.addi %scan3A_482, %scan3A_499 : i32
        %swap3A_501 = arith.index_cast %scan3A_500 : i32 to index
        %swap3A_502 = arith.constant 0 : index
        %swap3A_503 = tpu.vector_load %arg6[%swap3A_501, %swap3A_502] {strides = array<i32>} : memref<128x16xi32, #tpu.memory_space<vmem>>, vector<16xi32>,
        tpu.vector_store %arg6[%swap3A_501, %swap3A_502], %broadcast_in_dim3A_7 {strides = array<i32>} : memref<128x16xi32, #tpu.memory_space<vmem>>, vector<16xi32>,
        %scan3A_504 = arith.constant 0 : i32
        scf.yield %scan3A_504 : i32
      }
      %scan3A_377 = arith.constant 128 : i32
      %while3A_378 = arith.constant 0 : i32
      %while3A_379 = arith.constant 0 : i32
      %while3A_380 = arith.subi %reduce_max3A_370, %while3A_378 : i32
      %while3A_381 = arith.addi %while3A_378, %while3A_380 : i32
      %while3A_382 = arith.constant 1 : i32
      %while3A_383 = arith.divsi %while3A_380, %while3A_382 : i32
      %while3A_384 = arith.muli %while3A_383, %while3A_382 : i32
      %while3A_385 = arith.addi %while3A_378, %while3A_384 : i32
      %while3A_386 = arith.constant 1 : i32
      %while3A_387 = scf.for %while3A_482 = %while3A_378 to %while3A_385 step %while3A_386 iter_args(%while3A_483 = %while3A_379) -> (i32)  : i32 {
        %get3A = arith.index_cast %while3A_482 : i32 to index
        %get3A_484 = arith.constant 0 : index
        %get3A_485 = tpu.vector_load %arg7[%get3A, %get3A_484] {strides = array<i32>} : memref<512x16xi32, #tpu.memory_space<vmem>>, vector<16xi32>,
        %xor3A_486 = arith.xori %get3A_485, %broadcast_in_dim3A_1 : vector<16xi32>
        %gt3A = vector.broadcast %while3A_482 : i32 to vector<16xi32>
        %gt3A_487 = arith.cmpi sgt, %scan3A_285, %gt3A : vector<16xi32>
        %broadcast_in_dim3A_488 = arith.constant 21 : i32
        %broadcast_in_dim3A_489 = vector.broadcast %broadcast_in_dim3A_488 : i32 to vector<16xi32>
        %shift_right_logical3A = arith.shrui %xor3A_486, %broadcast_in_dim3A_489 : vector<16xi32>
        %eq3A_490 = arith.cmpi eq, %shift_right_logical3A, %while3A#2 : vector<16xi32>
        %and3A_491 = arith.andi %gt3A_487, %eq3A_490 : vector<16xi1>
        %broadcast_in_dim3A_492 = arith.constant 14 : i32
        %broadcast_in_dim3A_493 = vector.broadcast %broadcast_in_dim3A_492 : i32 to vector<16xi32>
        %shift_right_logical3A_494 = arith.shrui %xor3A_486, %broadcast_in_dim3A_493 : vector<16xi32>
        %and3A_495 = arith.constant 127 : i32
        %and3A_496 = vector.broadcast %and3A_495 : i32 to vector<16xi32>
        %and3A_497 = arith.andi %shift_right_logical3A_494, %and3A_496 : vector<16xi32>
        tpu.vector_store_idx %arg6[%and3A_497, %iota3A], %broadcast_in_dim3A_5 masked %and3A_491 {add = true} : memref<128x16xi32, #tpu.memory_space<vmem>>[vector<16xi32>, vector<16xi32>], vector<16xi32>, vector<16xi1>
        %while3A_498 = arith.constant 0 : i32
        scf.yield %while3A_498 : i32
      }
      %while3A_388 = arith.constant 1 : i32
      %while3A_389 = scf.for %while3A_482 = %while3A_385 to %while3A_381 step %while3A_388 iter_args(%while3A_483 = %while3A_387) -> (i32)  : i32 {
        %get3A = arith.index_cast %while3A_482 : i32 to index
        %get3A_484 = arith.constant 0 : index
        %get3A_485 = tpu.vector_load %arg7[%get3A, %get3A_484] {strides = array<i32>} : memref<512x16xi32, #tpu.memory_space<vmem>>, vector<16xi32>,
        %xor3A_486 = arith.xori %get3A_485, %broadcast_in_dim3A_1 : vector<16xi32>
        %gt3A = vector.broadcast %while3A_482 : i32 to vector<16xi32>
        %gt3A_487 = arith.cmpi sgt, %scan3A_285, %gt3A : vector<16xi32>
        %broadcast_in_dim3A_488 = arith.constant 21 : i32
        %broadcast_in_dim3A_489 = vector.broadcast %broadcast_in_dim3A_488 : i32 to vector<16xi32>
        %shift_right_logical3A = arith.shrui %xor3A_486, %broadcast_in_dim3A_489 : vector<16xi32>
        %eq3A_490 = arith.cmpi eq, %shift_right_logical3A, %while3A#2 : vector<16xi32>
        %and3A_491 = arith.andi %gt3A_487, %eq3A_490 : vector<16xi1>
        %broadcast_in_dim3A_492 = arith.constant 14 : i32
        %broadcast_in_dim3A_493 = vector.broadcast %broadcast_in_dim3A_492 : i32 to vector<16xi32>
        %shift_right_logical3A_494 = arith.shrui %xor3A_486, %broadcast_in_dim3A_493 : vector<16xi32>
        %and3A_495 = arith.constant 127 : i32
        %and3A_496 = vector.broadcast %and3A_495 : i32 to vector<16xi32>
        %and3A_497 = arith.andi %shift_right_logical3A_494, %and3A_496 : vector<16xi32>
        tpu.vector_store_idx %arg6[%and3A_497, %iota3A], %broadcast_in_dim3A_5 masked %and3A_491 {add = true} : memref<128x16xi32, #tpu.memory_space<vmem>>[vector<16xi32>, vector<16xi32>], vector<16xi32>, vector<16xi1>
        %while3A_498 = arith.constant 0 : i32
        scf.yield %while3A_498 : i32
      }
      %scan3A_390 = arith.constant 0 : i32
      %scan3A_391 = arith.constant 128 : i32
      %scan3A_392 = arith.addi %scan3A_390, %scan3A_391 : i32
      %scan3A_393 = arith.constant 1 : i32
      %scan3A_394:3 = scf.for %scan3A_482 = %scan3A_390 to %scan3A_392 step %scan3A_393 iter_args(%scan3A_483 = %broadcast_in_dim3A_7, %scan3A_484 = %broadcast_in_dim3A_7, %scan3A_485 = %broadcast_in_dim3A_7) -> (vector<16xi32>, vector<16xi32>, vector<16xi32>)  : i32 {
        %sub3A_486 = arith.constant 127 : i32
        %sub3A_487 = arith.subi %sub3A_486, %scan3A_482 : i32
        %get3A = arith.index_cast %sub3A_487 : i32 to index
        %get3A_488 = arith.constant 0 : index
        %get3A_489 = tpu.vector_load %arg6[%get3A, %get3A_488] {strides = array<i32>} : memref<128x16xi32, #tpu.memory_space<vmem>>, vector<16xi32>,
        %add3A_490 = arith.addi %scan3A_483, %get3A_489 : vector<16xi32>
        %lt3A_491 = arith.cmpi slt, %scan3A_483, %sub3A_280 : vector<16xi32>
        %ge3A = arith.cmpi sge, %add3A_490, %sub3A_280 : vector<16xi32>
        %and3A_492 = arith.andi %lt3A_491, %ge3A : vector<16xi1>
        %broadcast_in_dim3A_493 = vector.broadcast %sub3A_487 : i32 to vector<16xi32>
        %select_n3A_494 = arith.select %and3A_492, %broadcast_in_dim3A_493, %scan3A_484 : vector<16xi1>, vector<16xi32>
        %select_n3A_495 = arith.select %and3A_492, %scan3A_483, %scan3A_485 : vector<16xi1>, vector<16xi32>
        scf.yield %add3A_490, %select_n3A_494, %select_n3A_495 : vector<16xi32>, vector<16xi32>, vector<16xi32>
      }
      %scan3A_395 = arith.constant 128 : i32
      %mul3A_396 = arith.constant 128 : i32
      %mul3A_397 = vector.broadcast %mul3A_396 : i32 to vector<16xi32>
      %mul3A_398 = arith.muli %while3A#2, %mul3A_397 : vector<16xi32>
      %add3A_399 = arith.addi %mul3A_398, %scan3A_394#1 : vector<16xi32>
      %sub3A_400 = arith.subi %sub3A_280, %scan3A_394#2 : vector<16xi32>
      %scan3A_401 = arith.constant 0 : i32
      %scan3A_402 = arith.constant 0 : i32
      %scan3A_403 = arith.constant 128 : i32
      %scan3A_404 = arith.addi %scan3A_402, %scan3A_403 : i32
      %scan3A_405 = arith.constant 4 : i32
      %scan3A_406 = scf.for %scan3A_482 = %scan3A_402 to %scan3A_404 step %scan3A_405 iter_args(%scan3A_483 = %scan3A_401) -> (i32)  : i32 {
        %swap3A = arith.index_cast %scan3A_482 : i32 to index
        %swap3A_484 = arith.constant 0 : index
        %swap3A_485 = tpu.vector_load %arg6[%swap3A, %swap3A_484] {strides = array<i32>} : memref<128x16xi32, #tpu.memory_space<vmem>>, vector<16xi32>,
        tpu.vector_store %arg6[%swap3A, %swap3A_484], %broadcast_in_dim3A_7 {strides = array<i32>} : memref<128x16xi32, #tpu.memory_space<vmem>>, vector<16xi32>,
        %scan3A_486 = arith.constant 0 : i32
        %scan3A_487 = arith.constant 1 : i32
        %scan3A_488 = arith.addi %scan3A_482, %scan3A_487 : i32
        %swap3A_489 = arith.index_cast %scan3A_488 : i32 to index
        %swap3A_490 = arith.constant 0 : index
        %swap3A_491 = tpu.vector_load %arg6[%swap3A_489, %swap3A_490] {strides = array<i32>} : memref<128x16xi32, #tpu.memory_space<vmem>>, vector<16xi32>,
        tpu.vector_store %arg6[%swap3A_489, %swap3A_490], %broadcast_in_dim3A_7 {strides = array<i32>} : memref<128x16xi32, #tpu.memory_space<vmem>>, vector<16xi32>,
        %scan3A_492 = arith.constant 0 : i32
        %scan3A_493 = arith.constant 2 : i32
        %scan3A_494 = arith.addi %scan3A_482, %scan3A_493 : i32
        %swap3A_495 = arith.index_cast %scan3A_494 : i32 to index
        %swap3A_496 = arith.constant 0 : index
        %swap3A_497 = tpu.vector_load %arg6[%swap3A_495, %swap3A_496] {strides = array<i32>} : memref<128x16xi32, #tpu.memory_space<vmem>>, vector<16xi32>,
        tpu.vector_store %arg6[%swap3A_495, %swap3A_496], %broadcast_in_dim3A_7 {strides = array<i32>} : memref<128x16xi32, #tpu.memory_space<vmem>>, vector<16xi32>,
        %scan3A_498 = arith.constant 0 : i32
        %scan3A_499 = arith.constant 3 : i32
        %scan3A_500 = arith.addi %scan3A_482, %scan3A_499 : i32
        %swap3A_501 = arith.index_cast %scan3A_500 : i32 to index
        %swap3A_502 = arith.constant 0 : index
        %swap3A_503 = tpu.vector_load %arg6[%swap3A_501, %swap3A_502] {strides = array<i32>} : memref<128x16xi32, #tpu.memory_space<vmem>>, vector<16xi32>,
        tpu.vector_store %arg6[%swap3A_501, %swap3A_502], %broadcast_in_dim3A_7 {strides = array<i32>} : memref<128x16xi32, #tpu.memory_space<vmem>>, vector<16xi32>,
        %scan3A_504 = arith.constant 0 : i32
        scf.yield %scan3A_504 : i32
      }
      %scan3A_407 = arith.constant 128 : i32
      %while3A_408 = arith.constant 0 : i32
      %while3A_409 = arith.constant 0 : i32
      %while3A_410 = arith.subi %reduce_max3A_370, %while3A_408 : i32
      %while3A_411 = arith.addi %while3A_408, %while3A_410 : i32
      %while3A_412 = arith.constant 1 : i32
      %while3A_413 = arith.divsi %while3A_410, %while3A_412 : i32
      %while3A_414 = arith.muli %while3A_413, %while3A_412 : i32
      %while3A_415 = arith.addi %while3A_408, %while3A_414 : i32
      %while3A_416 = arith.constant 1 : i32
      %while3A_417 = scf.for %while3A_482 = %while3A_408 to %while3A_415 step %while3A_416 iter_args(%while3A_483 = %while3A_409) -> (i32)  : i32 {
        %get3A = arith.index_cast %while3A_482 : i32 to index
        %get3A_484 = arith.constant 0 : index
        %get3A_485 = tpu.vector_load %arg7[%get3A, %get3A_484] {strides = array<i32>} : memref<512x16xi32, #tpu.memory_space<vmem>>, vector<16xi32>,
        %xor3A_486 = arith.xori %get3A_485, %broadcast_in_dim3A_1 : vector<16xi32>
        %gt3A = vector.broadcast %while3A_482 : i32 to vector<16xi32>
        %gt3A_487 = arith.cmpi sgt, %scan3A_285, %gt3A : vector<16xi32>
        %broadcast_in_dim3A_488 = arith.constant 14 : i32
        %broadcast_in_dim3A_489 = vector.broadcast %broadcast_in_dim3A_488 : i32 to vector<16xi32>
        %shift_right_logical3A = arith.shrui %xor3A_486, %broadcast_in_dim3A_489 : vector<16xi32>
        %eq3A_490 = arith.cmpi eq, %shift_right_logical3A, %add3A_399 : vector<16xi32>
        %and3A_491 = arith.andi %gt3A_487, %eq3A_490 : vector<16xi1>
        %broadcast_in_dim3A_492 = arith.constant 7 : i32
        %broadcast_in_dim3A_493 = vector.broadcast %broadcast_in_dim3A_492 : i32 to vector<16xi32>
        %shift_right_logical3A_494 = arith.shrui %xor3A_486, %broadcast_in_dim3A_493 : vector<16xi32>
        %and3A_495 = arith.constant 127 : i32
        %and3A_496 = vector.broadcast %and3A_495 : i32 to vector<16xi32>
        %and3A_497 = arith.andi %shift_right_logical3A_494, %and3A_496 : vector<16xi32>
        tpu.vector_store_idx %arg6[%and3A_497, %iota3A], %broadcast_in_dim3A_5 masked %and3A_491 {add = true} : memref<128x16xi32, #tpu.memory_space<vmem>>[vector<16xi32>, vector<16xi32>], vector<16xi32>, vector<16xi1>
        %while3A_498 = arith.constant 0 : i32
        scf.yield %while3A_498 : i32
      }
      %while3A_418 = arith.constant 1 : i32
      %while3A_419 = scf.for %while3A_482 = %while3A_415 to %while3A_411 step %while3A_418 iter_args(%while3A_483 = %while3A_417) -> (i32)  : i32 {
        %get3A = arith.index_cast %while3A_482 : i32 to index
        %get3A_484 = arith.constant 0 : index
        %get3A_485 = tpu.vector_load %arg7[%get3A, %get3A_484] {strides = array<i32>} : memref<512x16xi32, #tpu.memory_space<vmem>>, vector<16xi32>,
        %xor3A_486 = arith.xori %get3A_485, %broadcast_in_dim3A_1 : vector<16xi32>
        %gt3A = vector.broadcast %while3A_482 : i32 to vector<16xi32>
        %gt3A_487 = arith.cmpi sgt, %scan3A_285, %gt3A : vector<16xi32>
        %broadcast_in_dim3A_488 = arith.constant 14 : i32
        %broadcast_in_dim3A_489 = vector.broadcast %broadcast_in_dim3A_488 : i32 to vector<16xi32>
        %shift_right_logical3A = arith.shrui %xor3A_486, %broadcast_in_dim3A_489 : vector<16xi32>
        %eq3A_490 = arith.cmpi eq, %shift_right_logical3A, %add3A_399 : vector<16xi32>
        %and3A_491 = arith.andi %gt3A_487, %eq3A_490 : vector<16xi1>
        %broadcast_in_dim3A_492 = arith.constant 7 : i32
        %broadcast_in_dim3A_493 = vector.broadcast %broadcast_in_dim3A_492 : i32 to vector<16xi32>
        %shift_right_logical3A_494 = arith.shrui %xor3A_486, %broadcast_in_dim3A_493 : vector<16xi32>
        %and3A_495 = arith.constant 127 : i32
        %and3A_496 = vector.broadcast %and3A_495 : i32 to vector<16xi32>
        %and3A_497 = arith.andi %shift_right_logical3A_494, %and3A_496 : vector<16xi32>
        tpu.vector_store_idx %arg6[%and3A_497, %iota3A], %broadcast_in_dim3A_5 masked %and3A_491 {add = true} : memref<128x16xi32, #tpu.memory_space<vmem>>[vector<16xi32>, vector<16xi32>], vector<16xi32>, vector<16xi1>
        %while3A_498 = arith.constant 0 : i32
        scf.yield %while3A_498 : i32
      }
      %scan3A_420 = arith.constant 0 : i32
      %scan3A_421 = arith.constant 128 : i32
      %scan3A_422 = arith.addi %scan3A_420, %scan3A_421 : i32
      %scan3A_423 = arith.constant 1 : i32
      %scan3A_424:3 = scf.for %scan3A_482 = %scan3A_420 to %scan3A_422 step %scan3A_423 iter_args(%scan3A_483 = %broadcast_in_dim3A_7, %scan3A_484 = %broadcast_in_dim3A_7, %scan3A_485 = %broadcast_in_dim3A_7) -> (vector<16xi32>, vector<16xi32>, vector<16xi32>)  : i32 {
        %sub3A_486 = arith.constant 127 : i32
        %sub3A_487 = arith.subi %sub3A_486, %scan3A_482 : i32
        %get3A = arith.index_cast %sub3A_487 : i32 to index
        %get3A_488 = arith.constant 0 : index
        %get3A_489 = tpu.vector_load %arg6[%get3A, %get3A_488] {strides = array<i32>} : memref<128x16xi32, #tpu.memory_space<vmem>>, vector<16xi32>,
        %add3A_490 = arith.addi %scan3A_483, %get3A_489 : vector<16xi32>
        %lt3A_491 = arith.cmpi slt, %scan3A_483, %sub3A_400 : vector<16xi32>
        %ge3A = arith.cmpi sge, %add3A_490, %sub3A_400 : vector<16xi32>
        %and3A_492 = arith.andi %lt3A_491, %ge3A : vector<16xi1>
        %broadcast_in_dim3A_493 = vector.broadcast %sub3A_487 : i32 to vector<16xi32>
        %select_n3A_494 = arith.select %and3A_492, %broadcast_in_dim3A_493, %scan3A_484 : vector<16xi1>, vector<16xi32>
        %select_n3A_495 = arith.select %and3A_492, %scan3A_483, %scan3A_485 : vector<16xi1>, vector<16xi32>
        scf.yield %add3A_490, %select_n3A_494, %select_n3A_495 : vector<16xi32>, vector<16xi32>, vector<16xi32>
      }
      %scan3A_425 = arith.constant 128 : i32
      %mul3A_426 = arith.constant 128 : i32
      %mul3A_427 = vector.broadcast %mul3A_426 : i32 to vector<16xi32>
      %mul3A_428 = arith.muli %add3A_399, %mul3A_427 : vector<16xi32>
      %add3A_429 = arith.addi %mul3A_428, %scan3A_424#1 : vector<16xi32>
      %sub3A_430 = arith.subi %sub3A_400, %scan3A_424#2 : vector<16xi32>
      %scan3A_431 = arith.constant 0 : i32
      %scan3A_432 = arith.constant 0 : i32
      %scan3A_433 = arith.constant 128 : i32
      %scan3A_434 = arith.addi %scan3A_432, %scan3A_433 : i32
      %scan3A_435 = arith.constant 4 : i32
      %scan3A_436 = scf.for %scan3A_482 = %scan3A_432 to %scan3A_434 step %scan3A_435 iter_args(%scan3A_483 = %scan3A_431) -> (i32)  : i32 {
        %swap3A = arith.index_cast %scan3A_482 : i32 to index
        %swap3A_484 = arith.constant 0 : index
        %swap3A_485 = tpu.vector_load %arg6[%swap3A, %swap3A_484] {strides = array<i32>} : memref<128x16xi32, #tpu.memory_space<vmem>>, vector<16xi32>,
        tpu.vector_store %arg6[%swap3A, %swap3A_484], %broadcast_in_dim3A_7 {strides = array<i32>} : memref<128x16xi32, #tpu.memory_space<vmem>>, vector<16xi32>,
        %scan3A_486 = arith.constant 0 : i32
        %scan3A_487 = arith.constant 1 : i32
        %scan3A_488 = arith.addi %scan3A_482, %scan3A_487 : i32
        %swap3A_489 = arith.index_cast %scan3A_488 : i32 to index
        %swap3A_490 = arith.constant 0 : index
        %swap3A_491 = tpu.vector_load %arg6[%swap3A_489, %swap3A_490] {strides = array<i32>} : memref<128x16xi32, #tpu.memory_space<vmem>>, vector<16xi32>,
        tpu.vector_store %arg6[%swap3A_489, %swap3A_490], %broadcast_in_dim3A_7 {strides = array<i32>} : memref<128x16xi32, #tpu.memory_space<vmem>>, vector<16xi32>,
        %scan3A_492 = arith.constant 0 : i32
        %scan3A_493 = arith.constant 2 : i32
        %scan3A_494 = arith.addi %scan3A_482, %scan3A_493 : i32
        %swap3A_495 = arith.index_cast %scan3A_494 : i32 to index
        %swap3A_496 = arith.constant 0 : index
        %swap3A_497 = tpu.vector_load %arg6[%swap3A_495, %swap3A_496] {strides = array<i32>} : memref<128x16xi32, #tpu.memory_space<vmem>>, vector<16xi32>,
        tpu.vector_store %arg6[%swap3A_495, %swap3A_496], %broadcast_in_dim3A_7 {strides = array<i32>} : memref<128x16xi32, #tpu.memory_space<vmem>>, vector<16xi32>,
        %scan3A_498 = arith.constant 0 : i32
        %scan3A_499 = arith.constant 3 : i32
        %scan3A_500 = arith.addi %scan3A_482, %scan3A_499 : i32
        %swap3A_501 = arith.index_cast %scan3A_500 : i32 to index
        %swap3A_502 = arith.constant 0 : index
        %swap3A_503 = tpu.vector_load %arg6[%swap3A_501, %swap3A_502] {strides = array<i32>} : memref<128x16xi32, #tpu.memory_space<vmem>>, vector<16xi32>,
        tpu.vector_store %arg6[%swap3A_501, %swap3A_502], %broadcast_in_dim3A_7 {strides = array<i32>} : memref<128x16xi32, #tpu.memory_space<vmem>>, vector<16xi32>,
        %scan3A_504 = arith.constant 0 : i32
        scf.yield %scan3A_504 : i32
      }
      %scan3A_437 = arith.constant 128 : i32
      %while3A_438 = arith.constant 0 : i32
      %while3A_439 = arith.constant 0 : i32
      %while3A_440 = arith.subi %reduce_max3A_370, %while3A_438 : i32
      %while3A_441 = arith.addi %while3A_438, %while3A_440 : i32
      %while3A_442 = arith.constant 1 : i32
      %while3A_443 = arith.divsi %while3A_440, %while3A_442 : i32
      %while3A_444 = arith.muli %while3A_443, %while3A_442 : i32
      %while3A_445 = arith.addi %while3A_438, %while3A_444 : i32
      %while3A_446 = arith.constant 1 : i32
      %while3A_447 = scf.for %while3A_482 = %while3A_438 to %while3A_445 step %while3A_446 iter_args(%while3A_483 = %while3A_439) -> (i32)  : i32 {
        %get3A = arith.index_cast %while3A_482 : i32 to index
        %get3A_484 = arith.constant 0 : index
        %get3A_485 = tpu.vector_load %arg7[%get3A, %get3A_484] {strides = array<i32>} : memref<512x16xi32, #tpu.memory_space<vmem>>, vector<16xi32>,
        %xor3A_486 = arith.xori %get3A_485, %broadcast_in_dim3A_1 : vector<16xi32>
        %gt3A = vector.broadcast %while3A_482 : i32 to vector<16xi32>
        %gt3A_487 = arith.cmpi sgt, %scan3A_285, %gt3A : vector<16xi32>
        %broadcast_in_dim3A_488 = arith.constant 7 : i32
        %broadcast_in_dim3A_489 = vector.broadcast %broadcast_in_dim3A_488 : i32 to vector<16xi32>
        %shift_right_logical3A = arith.shrui %xor3A_486, %broadcast_in_dim3A_489 : vector<16xi32>
        %eq3A_490 = arith.cmpi eq, %shift_right_logical3A, %add3A_429 : vector<16xi32>
        %and3A_491 = arith.andi %gt3A_487, %eq3A_490 : vector<16xi1>
        %broadcast_in_dim3A_492 = arith.constant 0 : i32
        %broadcast_in_dim3A_493 = vector.broadcast %broadcast_in_dim3A_492 : i32 to vector<16xi32>
        %shift_right_logical3A_494 = arith.shrui %xor3A_486, %broadcast_in_dim3A_493 : vector<16xi32>
        %and3A_495 = arith.constant 127 : i32
        %and3A_496 = vector.broadcast %and3A_495 : i32 to vector<16xi32>
        %and3A_497 = arith.andi %shift_right_logical3A_494, %and3A_496 : vector<16xi32>
        tpu.vector_store_idx %arg6[%and3A_497, %iota3A], %broadcast_in_dim3A_5 masked %and3A_491 {add = true} : memref<128x16xi32, #tpu.memory_space<vmem>>[vector<16xi32>, vector<16xi32>], vector<16xi32>, vector<16xi1>
        %while3A_498 = arith.constant 0 : i32
        scf.yield %while3A_498 : i32
      }
      %while3A_448 = arith.constant 1 : i32
      %while3A_449 = scf.for %while3A_482 = %while3A_445 to %while3A_441 step %while3A_448 iter_args(%while3A_483 = %while3A_447) -> (i32)  : i32 {
        %get3A = arith.index_cast %while3A_482 : i32 to index
        %get3A_484 = arith.constant 0 : index
        %get3A_485 = tpu.vector_load %arg7[%get3A, %get3A_484] {strides = array<i32>} : memref<512x16xi32, #tpu.memory_space<vmem>>, vector<16xi32>,
        %xor3A_486 = arith.xori %get3A_485, %broadcast_in_dim3A_1 : vector<16xi32>
        %gt3A = vector.broadcast %while3A_482 : i32 to vector<16xi32>
        %gt3A_487 = arith.cmpi sgt, %scan3A_285, %gt3A : vector<16xi32>
        %broadcast_in_dim3A_488 = arith.constant 7 : i32
        %broadcast_in_dim3A_489 = vector.broadcast %broadcast_in_dim3A_488 : i32 to vector<16xi32>
        %shift_right_logical3A = arith.shrui %xor3A_486, %broadcast_in_dim3A_489 : vector<16xi32>
        %eq3A_490 = arith.cmpi eq, %shift_right_logical3A, %add3A_429 : vector<16xi32>
        %and3A_491 = arith.andi %gt3A_487, %eq3A_490 : vector<16xi1>
        %broadcast_in_dim3A_492 = arith.constant 0 : i32
        %broadcast_in_dim3A_493 = vector.broadcast %broadcast_in_dim3A_492 : i32 to vector<16xi32>
        %shift_right_logical3A_494 = arith.shrui %xor3A_486, %broadcast_in_dim3A_493 : vector<16xi32>
        %and3A_495 = arith.constant 127 : i32
        %and3A_496 = vector.broadcast %and3A_495 : i32 to vector<16xi32>
        %and3A_497 = arith.andi %shift_right_logical3A_494, %and3A_496 : vector<16xi32>
        tpu.vector_store_idx %arg6[%and3A_497, %iota3A], %broadcast_in_dim3A_5 masked %and3A_491 {add = true} : memref<128x16xi32, #tpu.memory_space<vmem>>[vector<16xi32>, vector<16xi32>], vector<16xi32>, vector<16xi1>
        %while3A_498 = arith.constant 0 : i32
        scf.yield %while3A_498 : i32
      }
      %scan3A_450 = arith.constant 0 : i32
      %scan3A_451 = arith.constant 128 : i32
      %scan3A_452 = arith.addi %scan3A_450, %scan3A_451 : i32
      %scan3A_453 = arith.constant 1 : i32
      %scan3A_454:3 = scf.for %scan3A_482 = %scan3A_450 to %scan3A_452 step %scan3A_453 iter_args(%scan3A_483 = %broadcast_in_dim3A_7, %scan3A_484 = %broadcast_in_dim3A_7, %scan3A_485 = %broadcast_in_dim3A_7) -> (vector<16xi32>, vector<16xi32>, vector<16xi32>)  : i32 {
        %sub3A_486 = arith.constant 127 : i32
        %sub3A_487 = arith.subi %sub3A_486, %scan3A_482 : i32
        %get3A = arith.index_cast %sub3A_487 : i32 to index
        %get3A_488 = arith.constant 0 : index
        %get3A_489 = tpu.vector_load %arg6[%get3A, %get3A_488] {strides = array<i32>} : memref<128x16xi32, #tpu.memory_space<vmem>>, vector<16xi32>,
        %add3A_490 = arith.addi %scan3A_483, %get3A_489 : vector<16xi32>
        %lt3A_491 = arith.cmpi slt, %scan3A_483, %sub3A_430 : vector<16xi32>
        %ge3A = arith.cmpi sge, %add3A_490, %sub3A_430 : vector<16xi32>
        %and3A_492 = arith.andi %lt3A_491, %ge3A : vector<16xi1>
        %broadcast_in_dim3A_493 = vector.broadcast %sub3A_487 : i32 to vector<16xi32>
        %select_n3A_494 = arith.select %and3A_492, %broadcast_in_dim3A_493, %scan3A_484 : vector<16xi1>, vector<16xi32>
        %select_n3A_495 = arith.select %and3A_492, %scan3A_483, %scan3A_485 : vector<16xi1>, vector<16xi32>
        scf.yield %add3A_490, %select_n3A_494, %select_n3A_495 : vector<16xi32>, vector<16xi32>, vector<16xi32>
      }
      %scan3A_455 = arith.constant 128 : i32
      %mul3A_456 = arith.constant 128 : i32
      %mul3A_457 = vector.broadcast %mul3A_456 : i32 to vector<16xi32>
      %mul3A_458 = arith.muli %add3A_429, %mul3A_457 : vector<16xi32>
      %add3A_459 = arith.addi %mul3A_458, %scan3A_454#1 : vector<16xi32>
      %sub3A_460 = arith.subi %sub3A_430, %scan3A_454#2 : vector<16xi32>
      %xor3A = arith.xori %add3A_459, %broadcast_in_dim3A_1 : vector<16xi32>
      %while3A_461 = arith.constant 0 : i32
      %while3A_462 = arith.subi %reduce_max3A_370, %while3A_461 : i32
      %while3A_463 = arith.addi %while3A_461, %while3A_462 : i32
      %while3A_464 = arith.constant 1 : i32
      %while3A_465 = arith.divsi %while3A_462, %while3A_464 : i32
      %while3A_466 = arith.muli %while3A_465, %while3A_464 : i32
      %while3A_467 = arith.addi %while3A_461, %while3A_466 : i32
      %while3A_468 = arith.constant 1 : i32
      %while3A_469:2 = scf.for %while3A_482 = %while3A_461 to %while3A_467 step %while3A_468 iter_args(%while3A_483 = %broadcast_in_dim3A_7, %while3A_484 = %broadcast_in_dim3A_7) -> (vector<16xi32>, vector<16xi32>)  : i32 {
        %get3A = arith.index_cast %while3A_482 : i32 to index
        %get3A_485 = arith.constant 0 : index
        %get3A_486 = tpu.vector_load %arg7[%get3A, %get3A_485] {strides = array<i32>} : memref<512x16xi32, #tpu.memory_space<vmem>>, vector<16xi32>,
        %gt3A = vector.broadcast %while3A_482 : i32 to vector<16xi32>
        %gt3A_487 = arith.cmpi sgt, %scan3A_285, %gt3A : vector<16xi32>
        %gt3A_488 = arith.cmpi sgt, %get3A_486, %xor3A : vector<16xi32>
        %eq3A_489 = arith.cmpi eq, %get3A_486, %xor3A : vector<16xi32>
        %and3A_490 = arith.andi %gt3A_487, %eq3A_489 : vector<16xi1>
        %lt3A_491 = arith.cmpi slt, %while3A_484, %sub3A_460 : vector<16xi32>
        %and3A_492 = arith.andi %and3A_490, %lt3A_491 : vector<16xi1>
        %or3A = arith.ori %gt3A_488, %and3A_492 : vector<16xi1>
        %and3A_493 = arith.andi %gt3A_487, %or3A : vector<16xi1>
        tpu.vector_store_idx %arg8[%while3A_483, %iota3A], %get3A_486 masked %and3A_493 : memref<64x16xi32, #tpu.memory_space<vmem>>[vector<16xi32>, vector<16xi32>], vector<16xi32>, vector<16xi1>
        %jit3A_494 = arith.constant 1 : i32
        %jit3A_495 = arith.constant 0 : i32
        %broadcast_in_dim3A_496 = vector.broadcast %jit3A_494 : i32 to vector<16xi32>
        %broadcast_in_dim3A_497 = vector.broadcast %jit3A_495 : i32 to vector<16xi32>
        %select_n3A_498 = arith.select %and3A_493, %broadcast_in_dim3A_496, %broadcast_in_dim3A_497 : vector<16xi1>, vector<16xi32>
        %add3A_499 = arith.addi %while3A_483, %select_n3A_498 : vector<16xi32>
        %jit3A_500 = arith.constant 1 : i32
        %jit3A_501 = arith.constant 0 : i32
        %broadcast_in_dim3A_502 = vector.broadcast %jit3A_500 : i32 to vector<16xi32>
        %broadcast_in_dim3A_503 = vector.broadcast %jit3A_501 : i32 to vector<16xi32>
        %select_n3A_504 = arith.select %and3A_490, %broadcast_in_dim3A_502, %broadcast_in_dim3A_503 : vector<16xi1>, vector<16xi32>
        %add3A_505 = arith.addi %while3A_484, %select_n3A_504 : vector<16xi32>
        scf.yield %add3A_499, %add3A_505 : vector<16xi32>, vector<16xi32>
      }
      %while3A_470 = arith.constant 1 : i32
      %while3A_471:2 = scf.for %while3A_482 = %while3A_467 to %while3A_463 step %while3A_470 iter_args(%while3A_483 = %while3A_469#0, %while3A_484 = %while3A_469#1) -> (vector<16xi32>, vector<16xi32>)  : i32 {
        %get3A = arith.index_cast %while3A_482 : i32 to index
        %get3A_485 = arith.constant 0 : index
        %get3A_486 = tpu.vector_load %arg7[%get3A, %get3A_485] {strides = array<i32>} : memref<512x16xi32, #tpu.memory_space<vmem>>, vector<16xi32>,
        %gt3A = vector.broadcast %while3A_482 : i32 to vector<16xi32>
        %gt3A_487 = arith.cmpi sgt, %scan3A_285, %gt3A : vector<16xi32>
        %gt3A_488 = arith.cmpi sgt, %get3A_486, %xor3A : vector<16xi32>
        %eq3A_489 = arith.cmpi eq, %get3A_486, %xor3A : vector<16xi32>
        %and3A_490 = arith.andi %gt3A_487, %eq3A_489 : vector<16xi1>
        %lt3A_491 = arith.cmpi slt, %while3A_484, %sub3A_460 : vector<16xi32>
        %and3A_492 = arith.andi %and3A_490, %lt3A_491 : vector<16xi1>
        %or3A = arith.ori %gt3A_488, %and3A_492 : vector<16xi1>
        %and3A_493 = arith.andi %gt3A_487, %or3A : vector<16xi1>
        tpu.vector_store_idx %arg8[%while3A_483, %iota3A], %get3A_486 masked %and3A_493 : memref<64x16xi32, #tpu.memory_space<vmem>>[vector<16xi32>, vector<16xi32>], vector<16xi32>, vector<16xi1>
        %jit3A_494 = arith.constant 1 : i32
        %jit3A_495 = arith.constant 0 : i32
        %broadcast_in_dim3A_496 = vector.broadcast %jit3A_494 : i32 to vector<16xi32>
        %broadcast_in_dim3A_497 = vector.broadcast %jit3A_495 : i32 to vector<16xi32>
        %select_n3A_498 = arith.select %and3A_493, %broadcast_in_dim3A_496, %broadcast_in_dim3A_497 : vector<16xi1>, vector<16xi32>
        %add3A_499 = arith.addi %while3A_483, %select_n3A_498 : vector<16xi32>
        %jit3A_500 = arith.constant 1 : i32
        %jit3A_501 = arith.constant 0 : i32
        %broadcast_in_dim3A_502 = vector.broadcast %jit3A_500 : i32 to vector<16xi32>
        %broadcast_in_dim3A_503 = vector.broadcast %jit3A_501 : i32 to vector<16xi32>
        %select_n3A_504 = arith.select %and3A_490, %broadcast_in_dim3A_502, %broadcast_in_dim3A_503 : vector<16xi1>, vector<16xi32>
        %add3A_505 = arith.addi %while3A_484, %select_n3A_504 : vector<16xi32>
        scf.yield %add3A_499, %add3A_505 : vector<16xi32>, vector<16xi32>
      }
      %scan3A_472 = arith.constant 0 : i32
      %scan3A_473 = arith.constant 0 : i32
      %scan3A_474 = arith.constant 64 : i32
      %scan3A_475 = arith.addi %scan3A_473, %scan3A_474 : i32
      %scan3A_476 = arith.constant 4 : i32
      %scan3A_477 = scf.for %scan3A_482 = %scan3A_473 to %scan3A_475 step %scan3A_476 iter_args(%scan3A_483 = %scan3A_472) -> (i32)  : i32 {
        %get3A = arith.index_cast %scan3A_482 : i32 to index
        %get3A_484 = arith.constant 0 : index
        %get3A_485 = tpu.vector_load %arg8[%get3A, %get3A_484] {strides = array<i32>} : memref<64x16xi32, #tpu.memory_space<vmem>>, vector<16xi32>,
        %lt3A_486 = arith.constant 0 : i32
        %lt3A_487 = vector.broadcast %lt3A_486 : i32 to vector<16xi32>
        %lt3A_488 = arith.cmpi slt, %get3A_485, %lt3A_487 : vector<16xi32>
        %xor3A_489 = arith.xori %get3A_485, %broadcast_in_dim3A_1 : vector<16xi32>
        %not3A = arith.constant dense<-1> : vector<16xi32>
        %not3A_490 = arith.xori %xor3A_489, %not3A : vector<16xi32>
        %select_n3A_491 = arith.select %lt3A_488, %not3A_490, %get3A_485 : vector<16xi1>, vector<16xi32>
        %bitcast_convert_type3A = tpu.bitcast %select_n3A_491 : vector<16xi32> -> vector<16xf32>
        %swap3A = arith.index_cast %scan3A_482 : i32 to index
        %swap3A_492 = arith.constant 0 : index
        %swap3A_493 = tpu.vector_load %arg9[%swap3A, %swap3A_492] {strides = array<i32>} : memref<64x16xf32, #tpu.memory_space<vmem>>, vector<16xf32>,
        tpu.vector_store %arg9[%swap3A, %swap3A_492], %bitcast_convert_type3A {strides = array<i32>} : memref<64x16xf32, #tpu.memory_space<vmem>>, vector<16xf32>,
        %scan3A_494 = arith.constant 0 : i32
        %scan3A_495 = arith.constant 1 : i32
        %scan3A_496 = arith.addi %scan3A_482, %scan3A_495 : i32
        %get3A_497 = arith.index_cast %scan3A_496 : i32 to index
        %get3A_498 = arith.constant 0 : index
        %get3A_499 = tpu.vector_load %arg8[%get3A_497, %get3A_498] {strides = array<i32>} : memref<64x16xi32, #tpu.memory_space<vmem>>, vector<16xi32>,
        %lt3A_500 = arith.constant 0 : i32
        %lt3A_501 = vector.broadcast %lt3A_500 : i32 to vector<16xi32>
        %lt3A_502 = arith.cmpi slt, %get3A_499, %lt3A_501 : vector<16xi32>
        %xor3A_503 = arith.xori %get3A_499, %broadcast_in_dim3A_1 : vector<16xi32>
        %not3A_504 = arith.constant dense<-1> : vector<16xi32>
        %not3A_505 = arith.xori %xor3A_503, %not3A_504 : vector<16xi32>
        %select_n3A_506 = arith.select %lt3A_502, %not3A_505, %get3A_499 : vector<16xi1>, vector<16xi32>
        %bitcast_convert_type3A_507 = tpu.bitcast %select_n3A_506 : vector<16xi32> -> vector<16xf32>
        %swap3A_508 = arith.index_cast %scan3A_496 : i32 to index
        %swap3A_509 = arith.constant 0 : index
        %swap3A_510 = tpu.vector_load %arg9[%swap3A_508, %swap3A_509] {strides = array<i32>} : memref<64x16xf32, #tpu.memory_space<vmem>>, vector<16xf32>,
        tpu.vector_store %arg9[%swap3A_508, %swap3A_509], %bitcast_convert_type3A_507 {strides = array<i32>} : memref<64x16xf32, #tpu.memory_space<vmem>>, vector<16xf32>,
        %scan3A_511 = arith.constant 0 : i32
        %scan3A_512 = arith.constant 2 : i32
        %scan3A_513 = arith.addi %scan3A_482, %scan3A_512 : i32
        %get3A_514 = arith.index_cast %scan3A_513 : i32 to index
        %get3A_515 = arith.constant 0 : index
        %get3A_516 = tpu.vector_load %arg8[%get3A_514, %get3A_515] {strides = array<i32>} : memref<64x16xi32, #tpu.memory_space<vmem>>, vector<16xi32>,
        %lt3A_517 = arith.constant 0 : i32
        %lt3A_518 = vector.broadcast %lt3A_517 : i32 to vector<16xi32>
        %lt3A_519 = arith.cmpi slt, %get3A_516, %lt3A_518 : vector<16xi32>
        %xor3A_520 = arith.xori %get3A_516, %broadcast_in_dim3A_1 : vector<16xi32>
        %not3A_521 = arith.constant dense<-1> : vector<16xi32>
        %not3A_522 = arith.xori %xor3A_520, %not3A_521 : vector<16xi32>
        %select_n3A_523 = arith.select %lt3A_519, %not3A_522, %get3A_516 : vector<16xi1>, vector<16xi32>
        %bitcast_convert_type3A_524 = tpu.bitcast %select_n3A_523 : vector<16xi32> -> vector<16xf32>
        %swap3A_525 = arith.index_cast %scan3A_513 : i32 to index
        %swap3A_526 = arith.constant 0 : index
        %swap3A_527 = tpu.vector_load %arg9[%swap3A_525, %swap3A_526] {strides = array<i32>} : memref<64x16xf32, #tpu.memory_space<vmem>>, vector<16xf32>,
        tpu.vector_store %arg9[%swap3A_525, %swap3A_526], %bitcast_convert_type3A_524 {strides = array<i32>} : memref<64x16xf32, #tpu.memory_space<vmem>>, vector<16xf32>,
        %scan3A_528 = arith.constant 0 : i32
        %scan3A_529 = arith.constant 3 : i32
        %scan3A_530 = arith.addi %scan3A_482, %scan3A_529 : i32
        %get3A_531 = arith.index_cast %scan3A_530 : i32 to index
        %get3A_532 = arith.constant 0 : index
        %get3A_533 = tpu.vector_load %arg8[%get3A_531, %get3A_532] {strides = array<i32>} : memref<64x16xi32, #tpu.memory_space<vmem>>, vector<16xi32>,
        %lt3A_534 = arith.constant 0 : i32
        %lt3A_535 = vector.broadcast %lt3A_534 : i32 to vector<16xi32>
        %lt3A_536 = arith.cmpi slt, %get3A_533, %lt3A_535 : vector<16xi32>
        %xor3A_537 = arith.xori %get3A_533, %broadcast_in_dim3A_1 : vector<16xi32>
        %not3A_538 = arith.constant dense<-1> : vector<16xi32>
        %not3A_539 = arith.xori %xor3A_537, %not3A_538 : vector<16xi32>
        %select_n3A_540 = arith.select %lt3A_536, %not3A_539, %get3A_533 : vector<16xi1>, vector<16xi32>
        %bitcast_convert_type3A_541 = tpu.bitcast %select_n3A_540 : vector<16xi32> -> vector<16xf32>
        %swap3A_542 = arith.index_cast %scan3A_530 : i32 to index
        %swap3A_543 = arith.constant 0 : index
        %swap3A_544 = tpu.vector_load %arg9[%swap3A_542, %swap3A_543] {strides = array<i32>} : memref<64x16xf32, #tpu.memory_space<vmem>>, vector<16xf32>,
        tpu.vector_store %arg9[%swap3A_542, %swap3A_543], %bitcast_convert_type3A_541 {strides = array<i32>} : memref<64x16xf32, #tpu.memory_space<vmem>>, vector<16xf32>,
        %scan3A_545 = arith.constant 0 : i32
        scf.yield %scan3A_545 : i32
      }
      %scan3A_478 = arith.constant 64 : i32
      %mul3A_479 = arith.constant 16 : i32
      %mul3A_480 = arith.muli %select_n3A_188, %mul3A_479 : i32
      "tpu.region"() ({
        %run_scoped3A = tpu.sem_alloc : memref<!tpu.dma_semaphore, #tpu.memory_space<semaphore_mem>>
        %dma_start3A_482 = arith.constant 0 : i32
        %dma_start3A_483 = tpu.memref_slice %arg3[%select_n3A_172, %dma_start3A_482, %mul3A_480] : memref<4x64x1024xf32, #tpu.memory_space<hbm>> -> memref<1x64x16xf32, #tpu.memory_space<hbm>>
        %dma_start3A_484 = tpu.memref_squeeze %dma_start3A_483 : memref<1x64x16xf32, #tpu.memory_space<hbm>> -> memref<64x16xf32, #tpu.memory_space<hbm>>
        %dma_start3A_485 = arith.constant 0 : i32
        %dma_start3A_486 = tpu.memref_slice %arg3[%select_n3A_172, %dma_start3A_485, %mul3A_480] : memref<4x64x1024xf32, #tpu.memory_space<hbm>> -> memref<1x64x16xf32, #tpu.memory_space<hbm>>
        %dma_start3A_487 = tpu.memref_squeeze %dma_start3A_486 : memref<1x64x16xf32, #tpu.memory_space<hbm>> -> memref<64x16xf32, #tpu.memory_space<hbm>>
        tpu.enqueue_dma source(%arg9 : memref<64x16xf32, #tpu.memory_space<vmem>>) target(%dma_start3A_487 : memref<64x16xf32, #tpu.memory_space<hbm>>) target_semaphore(%run_scoped3A : memref<!tpu.dma_semaphore, #tpu.memory_space<semaphore_mem>>)
        %dma_wait3A_488 = arith.constant 0 : i32
        %dma_wait3A_489 = tpu.memref_slice %arg3[%select_n3A_172, %dma_wait3A_488, %mul3A_480] : memref<4x64x1024xf32, #tpu.memory_space<hbm>> -> memref<1x64x16xf32, #tpu.memory_space<hbm>>
        %dma_wait3A_490 = tpu.memref_squeeze %dma_wait3A_489 : memref<1x64x16xf32, #tpu.memory_space<hbm>> -> memref<64x16xf32, #tpu.memory_space<hbm>>
        %dma_wait3A_491 = arith.constant 0 : i32
        %dma_wait3A_492 = tpu.memref_slice %arg3[%select_n3A_172, %dma_wait3A_491, %mul3A_480] : memref<4x64x1024xf32, #tpu.memory_space<hbm>> -> memref<1x64x16xf32, #tpu.memory_space<hbm>>
        %dma_wait3A_493 = tpu.memref_squeeze %dma_wait3A_492 : memref<1x64x16xf32, #tpu.memory_space<hbm>> -> memref<64x16xf32, #tpu.memory_space<hbm>>
        tpu.wait_dma2 semaphore(%run_scoped3A : memref<!tpu.dma_semaphore, #tpu.memory_space<semaphore_mem>>) src(%arg9 : memref<64x16xf32, #tpu.memory_space<vmem>>) dst(%dma_wait3A_493 : memref<64x16xf32, #tpu.memory_space<hbm>>)
        tpu.yield
      }) : () -> ()
      %scan3A_481 = arith.constant 0 : i32
      scf.yield %scan3A_481 : i32
    }
    %scan3A_74 = arith.constant 8 : i32
    %mul3A_75 = arith.constant 8 : i32
    %mul3A_76 = arith.muli %add3A, %mul3A_75 : i32
    %jit3A_77 = arith.constant 64 : i32
    %div3A_78 = arith.divsi %mul3A_76, %jit3A_77 : i32
    %sign3A_79 = arith.constant 0 : i32
    %sign3A_80 = arith.cmpi sgt, %mul3A_76, %sign3A_79 : i32
    %sign3A_81 = arith.extui %sign3A_80 : i1 to i32
    %sign3A_82 = arith.constant 0 : i32
    %sign3A_83 = arith.cmpi slt, %mul3A_76, %sign3A_82 : i32
    %sign3A_84 = arith.extui %sign3A_83 : i1 to i32
    %sign3A_85 = arith.subi %sign3A_81, %sign3A_84 : i32
    %sign3A_86 = arith.constant 0 : i32
    %sign3A_87 = arith.cmpi sgt, %jit3A_77, %sign3A_86 : i32
    %sign3A_88 = arith.extui %sign3A_87 : i1 to i32
    %sign3A_89 = arith.constant 0 : i32
    %sign3A_90 = arith.cmpi slt, %jit3A_77, %sign3A_89 : i32
    %sign3A_91 = arith.extui %sign3A_90 : i1 to i32
    %sign3A_92 = arith.subi %sign3A_88, %sign3A_91 : i32
    %ne3A_93 = arith.cmpi ne, %sign3A_85, %sign3A_92 : i32
    %rem3A_94 = arith.remsi %mul3A_76, %jit3A_77 : i32
    %ne3A_95 = arith.constant 0 : i32
    %ne3A_96 = arith.cmpi ne, %rem3A_94, %ne3A_95 : i32
    %and3A_97 = arith.andi %ne3A_93, %ne3A_96 : i1
    %sub3A_98 = arith.constant 1 : i32
    %sub3A_99 = arith.subi %div3A_78, %sub3A_98 : i32
    %select_n3A_100 = arith.select %and3A_97, %sub3A_99, %div3A_78 : i32
    %jit3A_101 = arith.constant 64 : i32
    %eq3A_102 = arith.constant 0 : i32
    %eq3A_103 = arith.cmpi eq, %jit3A_101, %eq3A_102 : i32
    %jit3A_104 = arith.constant 1 : i32
    %select_n3A_105 = arith.select %eq3A_103, %jit3A_104, %jit3A_101 : i32
    %rem3A_106 = arith.remsi %mul3A_76, %select_n3A_105 : i32
    %ne3A_107 = arith.constant 0 : i32
    %ne3A_108 = arith.cmpi ne, %rem3A_106, %ne3A_107 : i32
    %lt3A_109 = arith.constant 0 : i32
    %lt3A_110 = arith.cmpi slt, %rem3A_106, %lt3A_109 : i32
    %lt3A_111 = arith.constant 0 : i32
    %lt3A_112 = arith.cmpi slt, %select_n3A_105, %lt3A_111 : i32
    %ne3A_113 = arith.xori %lt3A_110, %lt3A_112 : i1
    %and3A_114 = arith.andi %ne3A_113, %ne3A_108 : i1
    %add3A_115 = arith.addi %rem3A_106, %select_n3A_105 : i32
    %select_n3A_116 = arith.select %and3A_114, %add3A_115, %rem3A_106 : i32
    %mul3A_117 = arith.constant 16 : i32
    %mul3A_118 = arith.muli %select_n3A_116, %mul3A_117 : i32
    %dma_wait3A = arith.constant 0 : i32
    %dma_wait3A_119 = arith.constant 0 : i32
    %dma_wait3A_120 = tpu.memref_slice %arg4[%dma_wait3A, %dma_wait3A_119] : memref<4096x16xf32, #tpu.memory_space<vmem>> -> memref<2048x16xf32, #tpu.memory_space<vmem>>
    %dma_wait3A_121 = arith.constant 0 : i32
    %dma_wait3A_122 = tpu.memref_slice %arg2[%select_n3A_100, %dma_wait3A_121, %mul3A_118] : memref<4x4096x1024xf32, #tpu.memory_space<hbm>> -> memref<1x2048x16xf32, #tpu.memory_space<hbm>>
    %dma_wait3A_123 = tpu.memref_squeeze %dma_wait3A_122 : memref<1x2048x16xf32, #tpu.memory_space<hbm>> -> memref<2048x16xf32, #tpu.memory_space<hbm>>
    %dma_wait3A_124 = arith.constant 0 : i32
    %dma_wait3A_125 = arith.constant 0 : i32
    %dma_wait3A_126 = tpu.memref_slice %arg4[%dma_wait3A_124, %dma_wait3A_125] : memref<4096x16xf32, #tpu.memory_space<vmem>> -> memref<2048x16xf32, #tpu.memory_space<vmem>>
    %dma_wait3A_127 = arith.constant 0 : i32
    %dma_wait3A_128 = tpu.memref_slice %arg2[%select_n3A_100, %dma_wait3A_127, %mul3A_118] : memref<4x4096x1024xf32, #tpu.memory_space<hbm>> -> memref<1x2048x16xf32, #tpu.memory_space<hbm>>
    %dma_wait3A_129 = tpu.memref_squeeze %dma_wait3A_128 : memref<1x2048x16xf32, #tpu.memory_space<hbm>> -> memref<2048x16xf32, #tpu.memory_space<hbm>>
    tpu.wait_dma2 semaphore(%arg10 : memref<!tpu.dma_semaphore, #tpu.memory_space<semaphore_mem>>) src(%dma_wait3A_129 : memref<2048x16xf32, #tpu.memory_space<hbm>>) dst(%dma_wait3A_126 : memref<2048x16xf32, #tpu.memory_space<vmem>>)
    %mul3A_130 = arith.constant 16 : i32
    %mul3A_131 = arith.muli %select_n3A_116, %mul3A_130 : i32
    %dma_wait3A_132 = arith.constant 2048 : i32
    %dma_wait3A_133 = arith.constant 0 : i32
    %dma_wait3A_134 = tpu.memref_slice %arg4[%dma_wait3A_132, %dma_wait3A_133] : memref<4096x16xf32, #tpu.memory_space<vmem>> -> memref<2048x16xf32, #tpu.memory_space<vmem>>
    %dma_wait3A_135 = arith.constant 2048 : i32
    %dma_wait3A_136 = tpu.memref_slice %arg2[%select_n3A_100, %dma_wait3A_135, %mul3A_131] : memref<4x4096x1024xf32, #tpu.memory_space<hbm>> -> memref<1x2048x16xf32, #tpu.memory_space<hbm>>
    %dma_wait3A_137 = tpu.memref_squeeze %dma_wait3A_136 : memref<1x2048x16xf32, #tpu.memory_space<hbm>> -> memref<2048x16xf32, #tpu.memory_space<hbm>>
    %dma_wait3A_138 = arith.constant 2048 : i32
    %dma_wait3A_139 = arith.constant 0 : i32
    %dma_wait3A_140 = tpu.memref_slice %arg4[%dma_wait3A_138, %dma_wait3A_139] : memref<4096x16xf32, #tpu.memory_space<vmem>> -> memref<2048x16xf32, #tpu.memory_space<vmem>>
    %dma_wait3A_141 = arith.constant 2048 : i32
    %dma_wait3A_142 = tpu.memref_slice %arg2[%select_n3A_100, %dma_wait3A_141, %mul3A_131] : memref<4x4096x1024xf32, #tpu.memory_space<hbm>> -> memref<1x2048x16xf32, #tpu.memory_space<hbm>>
    %dma_wait3A_143 = tpu.memref_squeeze %dma_wait3A_142 : memref<1x2048x16xf32, #tpu.memory_space<hbm>> -> memref<2048x16xf32, #tpu.memory_space<hbm>>
    tpu.wait_dma2 semaphore(%arg11 : memref<!tpu.dma_semaphore, #tpu.memory_space<semaphore_mem>>) src(%dma_wait3A_143 : memref<2048x16xf32, #tpu.memory_space<hbm>>) dst(%dma_wait3A_140 : memref<2048x16xf32, #tpu.memory_space<vmem>>)
    return
  }
}

</mosaic_0001>

<sc_bundles>
// kernel: kernel.3.cloned.1.call-start
scs
__scs_entry_jumppad:
0x0: {  	(pc) =	sbr.rel $0x88, $3  }
0x1: {  	(tag) =	ssettag $0x0;
	lr =	simm.s32 $0x1  }
0x2: {  	[smem:$0x3FA0] =	sst lr;
	_ =	strace $0xD0000000  }
0x3: {  	_ = 	snop  }
0x4: {  	_ = 	snop  }
0x5: {  	_ = 	snop  }
0x6: {  	_ = 	snop  }
0x7: {  	_ = 	snop  }
__scs_overlays_trampoline_lowered:
0x8: {  	[smem:$0x3FAF] =	sst s0  }
0x9: {  	[smem:$0x3FB0] =	sst s1  }
0xa: {  	[smem:$0x3FB1] =	sst s2  }
0xb: {  	[smem:$0x3FB2] =	sst s3  }
0xc: {  	[smem:$0x3FB3] =	sst s4  }
0xd: {  	[smem:$0x3FB4] =	sst s5  }
0xe: {  	[smem:$0x3FB5] =	sst s6  }
0xf: {  	[smem:$0x3FB6] =	sst s7  }
0x10: {  	[smem:$0x3FB7] =	sst s8  }
0x11: {  	[smem:$0x3FB8] =	sst s9;
	s0 =	simm.s32 @!p0 $0x0  }
0x12: {  	s1 =	sld [smem:$0x3F9E];
	s0 =	simm.s32 @p0 $0x1  }
0x13: {  	[smem:$0x3FB9] =	sst s0;
	s0 =	simm.s32 @!p1 $0x0  }
0x14: {  	s2 =	sld [smem:$0x3F9D];
	s0 =	simm.s32 @p1 $0x1  }
0x15: {  	[smem:$0x3FBA] =	sst s0;
	s0 =	simm.s32 @!p2 $0x0  }
0x16: {  	s3 =	sld [smem:$0x3FDB];
	s0 =	simm.s32 @p2 $0x1  }
0x17: {  	s4 =	simm.s32 $0x1BF5;
	[smem:$0x3FBC] =	sst s0  }
0x18: {  	s0 =	sld [smem:$0x3F9F];
	_ =	swait.ge [sflag:s4], $0x0  }
0x19: {  	s7 =	sld [smem:$0x3FA0]  }
0x1a: {  	s8 =	sadd.s32 $0xFFFFE003, lr  }
0x1b: {  	s9 =	sadd.s32 $0xFFFFFEF7, lr;
	s5 =	simm.s32 $0xFFFFFFFF;
	p2 =	slt.u32 s8, $0xFFFFF086  }
0x1c: {  	p1 =	slt.u32 s9, $0xF7A;
	s5 =	simm.s32 @!p2 $0x0  }
0x1d: {  	s5 =	simm.s32 @p1 $0x1;
	p0 =	seq.s32 s7, s2  }
0x1e: {  	s7 =	smul.u32 @!p0 $0xF7A, s2;
	p2 =	seq.s32 @!p0 s5, $0x0  }
0x1f: {  	s9 =	smul.u32 $0xF7A, s1;
	s8 =	simm.s32 @!p0 $0x1BF5;
	p2 =	por !p2, p0  }
0x20: {  	[sflag:s8] =	ssyncset.s32 @!p0 $0xFFFFF086;
	s6 =	sadd.s32 @!p0 s3, s7;
	s7 =	simm.s32 @!p0 $0x108  }
0x21: {  	s3 =	sadd.s32 s3, s9;
	s6 =	sadd.s32 @!p0 $0x88, s6;
	s7 =	simm.s32 @p2 $0x1082  }
0x22: {  	[simem:s7], [sflag:s8] =	dma.local @!p0 [hbm:s6], $0xF7A  }
0x23: {  	s9 =	sor.u32 $0xD0000000, s2;
	s6 =	simm.s32 $0x108;
	_ =	swait.ge @!p0 [sflag:s8], $0x0  }
0x24: {  	s3 =	sadd.s32 $0x88, s3;
	s6 =	simm.s32 @!p1 $0x1082;
	[sflag:s4] =	ssyncset.s32 $0xFFFFF086  }
0x25: {  	[simem:s6], [sflag:s4] =	dma.local [hbm:s3], $0xF7A  }
0x26: {  	[smem:$0x3FA0] =	sst s1;
	(tag) =	ssettag s2;
	_ =	strace s9  }
0x27: {  	s1 =	sld [smem:$0x3FB0]  }
0x28: {  	s2 =	sld [smem:$0x3FB1]  }
0x29: {  	s4 =	sld [smem:$0x3FB3]  }
0x2a: {  	p0 =	seq.s32 s5, $0x0;
	s5 =	sld [smem:$0x3FB4]  }
0x2b: {  	s6 =	sld [smem:$0x3FB5]  }
0x2c: {  	s7 =	sld [smem:$0x3FB6]  }
0x2d: {  	s3 =	simm.s32 $0x108;
	s8 =	sld [smem:$0x3FB7]  }
0x2e: {  	s3 =	simm.s32 @!p0 $0x1082;
	s9 =	sld [smem:$0x3FB8]  }
0x2f: {  	lr =	sadd.s32 s0, s3;
	s0 =	sld [smem:$0x3FAF]  }
0x30: {  	s3 =	sld [smem:$0x3FB2]  }
0x31: {  	[smem:$0x3FBB] =	sst s10  }
0x32: {  	s10 =	sld [smem:$0x3FB9];
	_ =	sdelay $0x3  }
0x33: {  	p0 =	seq.s32 s10, $0x1;
	s10 =	sld [smem:$0x3FBB];
	_ =	sdelay $0x3  }
0x34: {  	[smem:$0x3FBB] =	sst s10  }
0x35: {  	s10 =	sld [smem:$0x3FBA];
	_ =	sdelay $0x3  }
0x36: {  	p1 =	seq.s32 s10, $0x1;
	s10 =	sld [smem:$0x3FBB];
	_ =	sdelay $0x3  }
0x37: {  	[smem:$0x3FBB] =	sst s10  }
0x38: {  	s10 =	sld [smem:$0x3FBC]  }
0x39: {  	_ = 	snop;
	(pc) =	sbr.ind lr, $3  }
0x3a: {  	_ = 	snop  }
0x3b: {  	_ = 	snop  }
0x3c: {  	p2 =	seq.s32 s10, $0x1;
	s10 =	sld [smem:$0x3FBB]  }
0x3d: {  	_ =	shalt  }
0x3e: {  	_ =	shalt  }
0x3f: {  	_ =	shalt  }
0x40: {  	_ =	shalt  }
0x41: {  	_ =	shalt  }
0x42: {  	_ =	shalt  }
0x43: {  	_ =	shalt  }
0x44: {  	_ =	shalt  }
0x45: {  	_ =	shalt  }
0x46: {  	_ =	shalt  }
0x47: {  	_ =	shalt  }
0x48: {  	_ =	shalt  }
0x49: {  	_ =	shalt  }
0x4a: {  	_ =	shalt  }
0x4b: {  	_ =	shalt  }
0x4c: {  	_ =	shalt  }
0x4d: {  	_ =	shalt  }
0x4e: {  	_ =	shalt  }
0x4f: {  	_ =	shalt  }
0x50: {  	_ =	shalt  }
0x51: {  	_ =	shalt  }
0x52: {  	_ =	shalt  }
0x53: {  	_ =	shalt  }
0x54: {  	_ =	shalt  }
0x55: {  	_ =	shalt  }
0x56: {  	_ =	shalt  }
0x57: {  	_ =	shalt  }
0x58: {  	_ =	shalt  }
0x59: {  	_ =	shalt  }
0x5a: {  	_ =	shalt  }
0x5b: {  	_ =	shalt  }
0x5c: {  	_ =	shalt  }
0x5d: {  	_ =	shalt  }
0x5e: {  	_ =	shalt  }
0x5f: {  	_ =	shalt  }
0x60: {  	_ =	shalt  }
0x61: {  	_ =	shalt  }
0x62: {  	_ =	shalt  }
0x63: {  	_ =	shalt  }
0x64: {  	_ =	shalt  }
0x65: {  	_ =	shalt  }
0x66: {  	_ =	shalt  }
0x67: {  	_ =	shalt  }
0x68: {  	_ =	shalt  }
0x69: {  	_ =	shalt  }
0x6a: {  	_ =	shalt  }
0x6b: {  	_ =	shalt  }
0x6c: {  	_ =	shalt  }
0x6d: {  	_ =	shalt  }
0x6e: {  	_ =	shalt  }
0x6f: {  	_ =	shalt  }
0x70: {  	_ =	shalt  }
0x71: {  	_ =	shalt  }
0x72: {  	_ =	shalt  }
0x73: {  	_ =	shalt  }
0x74: {  	_ =	shalt  }
0x75: {  	_ =	shalt  }
0x76: {  	_ =	shalt  }
0x77: {  	_ =	shalt  }
0x78: {  	_ =	shalt  }
0x79: {  	_ =	shalt  }
0x7a: {  	_ =	shalt  }
0x7b: {  	_ =	shalt  }
0x7c: {  	_ =	shalt  }
0x7d: {  	_ =	shalt  }
0x7e: {  	_ =	shalt  }
0x7f: {  	_ =	shalt  }
0x80: {  	_ =	shalt  }
0x81: {  	_ =	shalt  }
0x82: {  	_ =	shalt  }
0x83: {  	_ =	shalt  }
0x84: {  	_ =	shalt  }
0x85: {  	_ =	shalt  }
0x86: {  	_ =	shalt  }
0x87: {  	_ =	shalt  }
.Lfunc_end0:
.L_simem_size_0:
called_computation.1_lowered:
.L_overlay_start_0:
0x88: {  	s2 =	sld [smem:$0x3FD9]  }
0x89: {  	s3 =	sld [smem:$0x3FFE];
	_ =	sdelay $0x1  }
0x8a: {  	s1 =	srdreg.scid  }
0x8b: {  	s0 =	sand.u32 $0x1, s1  }
0x8c: {  	s16 =	sshll.u32 s0, $0xA;
	s2 =	sadd.s32 s3, s2  }
0x8d: {  	s2 =	sadd.s32 s2, s16  }
0x8e: {  	[smem:$0x3FC7] =	sst s2  }
0x8f: {  	_ = 	snop  }
0x90: {  	(tm) =	ssettm $0x1  }
0x91: {  	s17 =	sld [smem:$0x3FFB];
	_ =	sdelay $0x3  }
0x92: {  	_ =	strace s17  }
0x93: {  	s2 =	sld [smem:$0x3FFC];
	_ =	sdelay $0x3  }
0x94: {  	_ =	strace s2  }
0x95: {  	s2 =	sld [smem:$0x3FFD];
	_ =	sdelay $0x3  }
0x96: {  	_ =	strace s2  }
0x97: {  	_ =	strace $0x8FFFFFFF  }
0x98: {  	s18 =	sld [smem:$0x3FDB];
	_ =	sdelay $0x1  }
0x99: {  	s19 =	simm.s32 $_scs_section_size  }
0x9a: {  	s4 =	simm.s32 $_size__tile_overlayer_lowered;
	s5 =	simm.s32 $_tile_overlayer_lowered  }
0x9b: {  	s22 =	simm.s32 $0x1BFF;
	s21 =	sshll.u32 s5, $0x1;
	s2 =	sadd.s32 s19, s18  }
0x9c: {  	s6 =	simm.s32 $0x0;
	s20 =	sshll.u32 s4, $0x1;
	s4 =	sadd.s32 s21, s2  }
0x9d: {  	[timem:s6], [sflag:s22] =	dma.local [hbm:s4], s20  }
0x9e: {  	_ =	swait.ge [sflag:s22], s20  }
0x9f: {  	s3 =	ssub.s32 $0x0, s20;
	[sflag:s22] =	ssyncset.done $0x0  }
0xa0: {  	[sflag:s22] =	ssyncadd.s32 s3;
	_ =	sdelay $0x1  }
0xa1: {  	s23 =	simm.s32 $0x1B8B  }
0xa2: {  	_ =	swait.ge [sflag:s23], $0x1  }
0xa3: {  	[sflag:s23] =	ssyncset.done $0x0  }
0xa4: {  	s25 =	simm.s32 $0x1B8E;
	s24 =	sld [smem:$0x3FFE];
	[sflag:s23] =	ssyncadd.s32 $0xFFFFFFFF  }
0xa5: {  	s26 =	simm.s32 $execute0_lowered;
	[smem:$0x3FD2] =	sst s25  }
0xa6: {  	s4 =	sshll.u32 s26, $0x1;
	_ =	strace $0x80000049;
	[dreg:$0x1] =	wrdreg $0xFFFFFFFF  }
0xa7: {  	s28 =	simm.s32 $_size_execute0_lowered;
	s2 =	sadd.s32 s2, s4;
	[dreg:$0x0] =	wrdreg $0x0  }
0xa8: {  	s4 =	sshll.u32 s28, $0x1;
	[dreg:$0x2] =	wrdreg s2  }
0xa9: {  	[dreg:$0x3] =	wrdreg s4  }
0xaa: {  	[dreg:$0x4] =	wrdreg $0xC0  }
0xab: {  	_ =	task [dreg:s6], $0x5FFFF  }
0xac: {  	[dreg:$0x1] =	wrdreg $0xFFFFFFFF  }
0xad: {  	[dreg:$0x0] =	wrdreg $0x60  }
0xae: {  	[dreg:$0x2] =	wrdreg s24  }
0xaf: {  	[dreg:$0x3] =	wrdreg $0x9  }
0xb0: {  	_ =	task.clear_ibuf [dreg:s6], $0x4FFFF;
	_ =	strace $0x90000049  }
0xb1: {  	s29 =	simm.s32 $0x9;
	_ =	strace $0x8000004B  }
0xb2: {  	_ =	swait.ge [sflag:s29], $0x1  }
0xb3: {  	[sflag:s29] =	ssyncadd.s32 $0xFFFFFFFF  }
0xb4: {  	_ =	strace $0x9000004B  }
0xb5: {  	_ =	sfence  }
0xb6: {  	s30 =	sld [smem:$0x0];
	_ =	sdelay $0x2  }
0xb7: {  	s31 =	sshll.u32 s1, $0xD;
	s1 =	sshrl.u32 s1, $0x2  }
0xb8: {  	s3 =	sand.u32 $0x4000, s31;
	s1 =	sadd.s32 s1, s30  }
0xb9: {  	s0 =	sor.u32 s3, s0;
	s1 =	sshll.u32 s1, $0x11  }
0xba: {  	s0 =	sor.u32 s1, s0  }
0xbb: {  	s0 =	sadd.s32 $0x8F2B, s0  }
0xbc: {  	[sflag:s0] =	ssyncadd.remote.s32 $0x1  }
0xbd: {  	_ =	sfence.sel $0xFFFF  }
0xbe: {  	[dreg:$0x0] =	wrdreg $0xFFFFFFFF;
	(pc) =	sbr.abs _section_cstart, $3  }
0xbf: {  	[dreg:$0x1] =	wrdreg $0xFFFFFFFF  }
0xc0: {  	_ =	task.clear_ibuf [dreg:s6], $0x2FFFF;
	_ =	strace $0x9FFFFFFF  }
0xc1: {  	(tm) =	ssettm $0x7FFFFFFF  }
tec
execute0_lowered:
.L_overlay_start_1:
0x0: {  	(tag) =	ssettag $0x1  }
0x1: {  	s6 =	rddreg [dreg:$0x0];
	s1 =	simm.s32 $0x0  }
0x2: {  	[smem:$0x7FF] =	sst s1  }
0x3: {  	s0 =	rddreg [dreg:$0x1];
	v0 =	vimm.f32 $1.000000000e+00;
	_ =	strace $0x8000004A  }
0x4: {  	(xrf0) =	vmax.scan.msk.f32 $0xffff, v0;
	_ =	sdelay $0x5  }
0x5: {  	v0, _, _ =	vpop (xrf0)  }
0x6: {  	(v2sf) =	vpush v0, $0xF;
	_ =	sdelay $0x3  }
0x7: {  	s3 =	srdreg.scid  }
0x8: {  	s2 =	stileid.u32;
	s11 =	simm.s32 $0x10;
	s12 =	simm.s32 $0x400  }
0x9: {  	s13 =	simm.s32 $0x8000;
	s14 =	simm.s32 $0x1;
	s15 =	simm.s32 $0x2  }
0xa: {  	s16 =	simm.s32 $0x10000;
	s18 =	simm.s32 $0x18000;
	s19 =	simm.s32 $0x1A800  }
0xb: {  	s20 =	simm.s32 $0x1AC00;
	s21 =	simm.s32 $0x3;
	s22 =	simm.s32 $0x0  }
0xc: {  	s5 =	sand.u32 $0x1, s3;
	s4 =	sshll.u32 s2, $0x4;
	s3 =	sadd.s32 $0x800, s6  }
0xd: {  	s29 =	sshll.u32 s2, $0xB;
	s9 =	sshll.u32 s2, $0x11;
	s7 =	sshll.u32 s5, $0x3  }
0xe: {  	s5 =	ssub.s32 $0x2, s5;
	s4 =	sor.u32 s7, s4;
	s7 =	sand.u32 $0x6000, s29  }
0xf: {  	s31 =	sshrl.u32 s5, $0x1;
	s8 =	sshll.u32 s4, $0x1;
	s30 =	sadd.s32 s7, s6  }
0x10: {  	s10 =	ssub.s32 s5, s31;
	s6 =	sadd.s32 $0x40800, s6;
	s8 =	sor.u32 s9, s8  }
0x11: {  	s9 =	sadd.s32 $0x200800, s30;
	s10 =	smax.u32 s10, $0x1;
	s8 =	sand.u32 $0x180070, s8  }
0x12: {  	v1 =	vimm.s32 $0x1;
	v2 =	vlaneseq.u32;
	vm0 =	vmmov $0xffff;
	s5 =	sadd.s32 s3, s8;
	s7 =	sadd.s32 s8, s6;
	s17 =	spop (v2sf)  }
0x13: {  	v4 =	vimm.f32 $0.0e+00;
	v3 =	vor.u32 $0x4000, v2;
	s8 =	sor.u32 $0x7, s4;
	v0 =	vimm.s32 $0x0;
	p0 =	sgt.f32 s17, $0.0e+00;
	s17 =	simm.s32 $0x18800  }
.LBB2_1:
0x14: {  	[tilespmem:s1], [sflag:$0x1] =	stream.strided.gather [hbm4b:s5+s11], $0x8000, s12, s11, $0x38;
	[tilespmem:$0x1B000] =	vst v63  }
0x15: {  	s23 =	simm.s32 $0x0  }
0x16: {  	[tilespmem:s13], [sflag:$0x2] =	stream.strided.gather [hbm4b:s7+s11], $0x8000, s12, s11, $0x38;
	[tilespmem:$0x1B000] =	vst v63  }
.LBB2_2:
0x17: {  	_ =	swait.ge [sflag:s14], $0x8000  }
0x18: {  	[sflag:s14] =	ssyncset.done $0x0  }
0x19: {  	[sflag:s14] =	ssyncadd.s32 $0xFFFF8000  }
0x1a: {  	_ =	swait.ge [sflag:s15], $0x8000  }
0x1b: {  	[sflag:s15] =	ssyncset.done $0x0  }
0x1c: {  	s24 =	simm.s32 $0x10080;
	[sflag:s15] =	ssyncadd.s32 $0xFFFF8000  }
0x1d: {  	[tilespmem:s24+$0xFFFFFF80] =	vst v0  }
0x1e: {  	[tilespmem:s24+$0x70] =	vst v0  }
0x1f: {  	[tilespmem:s24+$0x60] =	vst v0  }
0x20: {  	[tilespmem:s24+$0x50] =	vst v0  }
0x21: {  	[tilespmem:s24+$0x40] =	vst v0  }
0x22: {  	[tilespmem:s24+$0x30] =	vst v0  }
0x23: {  	[tilespmem:s24+$0x20] =	vst v0  }
0x24: {  	[tilespmem:s24+$0x10] =	vst v0  }
0x25: {  	[tilespmem:s24+$0x0] =	vst v0  }
0x26: {  	[tilespmem:s24+$0xFFFFFFF0] =	vst v0  }
0x27: {  	[tilespmem:s24+$0xFFFFFFE0] =	vst v0  }
0x28: {  	[tilespmem:s24+$0xFFFFFFD0] =	vst v0  }
0x29: {  	[tilespmem:s24+$0xFFFFFFC0] =	vst v0  }
0x2a: {  	[tilespmem:s24+$0xFFFFFFB0] =	vst v0  }
0x2b: {  	s25 =	simm.s32 $0x0;
	[tilespmem:s24+$0xFFFFFFA0] =	vst v0  }
.LBB2_3:
0x2c: {  	s25 =	sadd.s32 $0x2, s25;
	[tilespmem:s24+$0xFFFFFF90] =	vst v0;
	s24 =	sadd.s32 $0x100, s24;
	v5 =	vimm.s32 $0x80000000  }
0x2d: {  	[tilespmem:s24+$0xFFFFFF80] =	vst v0;
	p1 =	slt.u32 s25, $0xFE  }
0x2e: {  	[tilespmem:s24+$0x70] =	vst v0  }
0x2f: {  	[tilespmem:s24+$0x60] =	vst v0  }
0x30: {  	[tilespmem:s24+$0x50] =	vst v0  }
0x31: {  	[tilespmem:s24+$0x40] =	vst v0  }
0x32: {  	[tilespmem:s24+$0x30] =	vst v0  }
0x33: {  	[tilespmem:s24+$0x20] =	vst v0  }
0x34: {  	[tilespmem:s24+$0x10] =	vst v0  }
0x35: {  	[tilespmem:s24+$0x0] =	vst v0  }
0x36: {  	[tilespmem:s24+$0xFFFFFFF0] =	vst v0  }
.Ltmp0:
0x37: {  	[tilespmem:s24+$0xFFFFFFE0] =	vst v0;
	(pc) =	sbr.rel @p1 .LBB2_3-.Ltmp0, $4  }
0x38: {  	[tilespmem:s24+$0xFFFFFFD0] =	vst v0  }
0x39: {  	[tilespmem:s24+$0xFFFFFFC0] =	vst v0  }
0x3a: {  	[tilespmem:s24+$0xFFFFFFB0] =	vst v0  }
0x3b: {  	[tilespmem:s24+$0xFFFFFFA0] =	vst v0  }
0x3c: {  	[tilespmem:s24+$0xFFFFFF90] =	vst v0;
	s31 =	simm.s32 $0x0  }
0x3d: {  	v7 =	vld [tilespmem:s31+$0x20]  }
0x3e: {  	v6 =	vld [tilespmem:s31+$0x10]  }
0x3f: {  	v9 =	vld [tilespmem:s31+$0x0]  }
0x40: {  	v12 =	vld [tilespmem:s31+$0x40];
	_ =	sdelay $0x2  }
0x41: {  	v10 =	vld [tilespmem:s31+$0x30]  }
0x42: {  	v8 =	vshra.s32 v6, $0x1F;
	v11 =	vshra.s32 v7, $0x1F  }
0x43: {  	v14 =	vshra.s32 v9, $0x1F;
	v18 =	vshra.s32 v12, $0x1F;
	v8 =	vshrl.u32 v8, $0x1  }
0x44: {  	v13 =	vld [tilespmem:s31+$0x50];
	v11 =	vshrl.u32 v11, $0x1;
	v14 =	vshrl.u32 v14, $0x1;
	v18 =	vshrl.u32 v18, $0x1  }
0x45: {  	v6 =	vxor.u32 v6, v8;
	v8 =	vxor.u32 v7, v11;
	v7 =	vxor.u32 v9, v14  }
0x46: {  	v11 =	vshra.s32 v10, $0x1F;
	v18 =	vxor.u32 v12, v18;
	v9 =	vshra.s32 v6, $0x11  }
0x47: {  	v14 =	vld [tilespmem:s31+$0x70];
	v15 =	vshra.s32 v8, $0x11;
	v16 =	vshra.s32 v7, $0x11;
	vm1 =	vgt.s32 v7, v6  }
0x48: {  	v17 =	vand.u32 $0xFFFFFFF0, v9;
	v9 =	vshrl.u32 v11, $0x1;
	v11 =	vand.u32 $0xFFFFFFF0, v16  }
0x49: {  	v15 =	vand.u32 $0xFFFFFFF0, v15;
	v9 =	vxor.u32 v10, v9;
	v10 =	vshra.s32 v13, $0x1F  }
0x4a: {  	v16 =	vadd.s32 v3, v11;
	v11 =	vld [tilespmem:s31+$0x60];
	v17 =	vadd.s32 v3, v17;
	v19 =	vshra.s32 v9, $0x11  }
0x4b: {  	v15 =	vadd.s32 v3, v15;
	v10 =	vshrl.u32 v10, $0x1;
	v19 =	vand.u32 $0xFFFFFFF0, v19  }
0x4c: {  	v20 =	vxor.u32 v13, v10;
	v10 =	vshra.s32 v14, $0x1F;
	v13 =	vshra.s32 v18, $0x11  }
0x4d: {  	v12 =	vshrl.u32 v10, $0x1;
	v10 =	vadd.s32 v3, v19;
	vm2 =	vgt.s32 v18, v20  }
0x4e: {  	v14 =	vxor.u32 v14, v12;
	v12 =	vand.u32 $0xFFFFFFF0, v13;
	v13 =	vsel vm2, v18, v20  }
0x4f: {  	v12 =	vadd.s32 v3, v12;
	v19 =	vshra.s32 v14, $0x11;
	[tilespmem:v16+s16+$0x0] =	vst.idx.add.s32.msk $0xffff, v1;
	v16 =	vshra.s32 v11, $0x1F  }
0x50: {  	s24 =	simm.s32 $0x200;
	[tilespmem:v17+s16+$0x0] =	vst.idx.add.s32.msk $0xffff, v1;
	v18 =	vshrl.u32 v16, $0x1;
	v17 =	vshra.s32 v20, $0x11;
	v16 =	vand.u32 $0xFFFFFFF0, v19  }
.LBB2_5:
0x51: {  	p1 =	sne.s32 s24, $0x3FE00;
	v11 =	vxor.u32 v11, v18;
	vm2 =	vgt.s32 v8, v9;
	v17 =	vand.u32 $0xFFFFFFF0, v17;
	s25 =	smov.u32 s24;
	s24 =	sadd.s32 $0x200, s24  }
0x52: {  	vm3 =	vgt.s32 v11, v14;
	v17 =	vadd.s32 v3, v17;
	v18 =	vshra.s32 v11, $0x11  }
0x53: {  	v8 =	vsel vm2, v8, v9;
	v9 =	vsel vm3, v11, v14;
	v11 =	vand.u32 $0xFFFFFFF0, v18  }
0x54: {  	vm2 =	vgt.s32 v13, v9;
	[tilespmem:v15+s16+$0x0] =	vst.idx.add.s32.msk $0xffff, v1;
	v11 =	vadd.s32 v3, v11  }
0x55: {  	v6 =	vsel vm1, v7, v6;
	v7 =	vadd.s32 v3, v16;
	[tilespmem:v10+s16+$0x0] =	vst.idx.add.s32.msk $0xffff, v1  }
0x56: {  	vm1 =	vgt.s32 v6, v8;
	[tilespmem:v12+s16+$0x0] =	vst.idx.add.s32.msk $0xffff, v1  }
0x57: {  	v6 =	vsel vm1, v6, v8;
	v8 =	vsel vm2, v13, v9;
	[tilespmem:v17+s16+$0x0] =	vst.idx.add.s32.msk $0xffff, v1  }
0x58: {  	vm1 =	vgt.s32 v6, v8  }
0x59: {  	s25 =	sshra.s32 s25, $0x2;
	v6 =	vsel vm1, v6, v8;
	[tilespmem:v11+s16+$0x0] =	vst.idx.add.s32.msk $0xffff, v1  }
0x5a: {  	vm1 =	vgt.s32 v5, v6;
	[tilespmem:v7+s16+$0x0] =	vst.idx.add.s32.msk $0xffff, v1  }
0x5b: {  	v5 =	vsel vm1, v5, v6;
	v7 =	vld [tilespmem:s25+$0x20]  }
0x5c: {  	v6 =	vld [tilespmem:s25+$0x10]  }
0x5d: {  	v9 =	vld [tilespmem:s25+$0x0]  }
0x5e: {  	v10 =	vld [tilespmem:s25+$0x30]  }
0x5f: {  	v12 =	vld [tilespmem:s25+$0x50]  }
0x60: {  	v13 =	vld [tilespmem:s25+$0x40]  }
0x61: {  	v11 =	vshra.s32 v7, $0x1F;
	v8 =	vshra.s32 v6, $0x1F  }
0x62: {  	v11 =	vshrl.u32 v11, $0x1;
	v14 =	vshra.s32 v9, $0x1F;
	v8 =	vshrl.u32 v8, $0x1  }
0x63: {  	v14 =	vshrl.u32 v14, $0x1;
	v6 =	vxor.u32 v6, v8;
	v8 =	vxor.u32 v7, v11  }
0x64: {  	v7 =	vxor.u32 v9, v14;
	v14 =	vld [tilespmem:s25+$0x70];
	v9 =	vshra.s32 v6, $0x11;
	v15 =	vshra.s32 v8, $0x11  }
0x65: {  	v16 =	vshra.s32 v10, $0x1F;
	v11 =	vld [tilespmem:s25+$0x60];
	v17 =	vshra.s32 v7, $0x11;
	v18 =	vand.u32 $0xFFFFFFF0, v9  }
0x66: {  	v9 =	vshrl.u32 v16, $0x1;
	v16 =	vshra.s32 v13, $0x1F;
	v17 =	vand.u32 $0xFFFFFFF0, v17  }
0x67: {  	vm1 =	vgt.s32 v7, v6;
	v9 =	vxor.u32 v10, v9;
	v10 =	vshra.s32 v12, $0x1F  }
0x68: {  	v10 =	vshrl.u32 v10, $0x1;
	v17 =	vadd.s32 v3, v17;
	v19 =	vshra.s32 v9, $0x11  }
0x69: {  	v16 =	vshrl.u32 v16, $0x1;
	v18 =	vadd.s32 v3, v18;
	v19 =	vand.u32 $0xFFFFFFF0, v19  }
0x6a: {  	v13 =	vxor.u32 v13, v16;
	v16 =	vxor.u32 v12, v10;
	v10 =	vshra.s32 v14, $0x1F  }
.Ltmp1:
0x6b: {  	v12 =	vshrl.u32 v10, $0x1;
	v10 =	vadd.s32 v3, v19;
	v19 =	vshra.s32 v13, $0x11;
	(pc) =	sbr.rel @p1 .LBB2_5-.Ltmp1, $4  }
0x6c: {  	v15 =	vand.u32 $0xFFFFFFF0, v15;
	v14 =	vxor.u32 v14, v12;
	v12 =	vand.u32 $0xFFFFFFF0, v19  }
0x6d: {  	vm2 =	vgt.s32 v13, v16;
	v12 =	vadd.s32 v3, v12;
	v19 =	vshra.s32 v14, $0x11;
	[tilespmem:v17+s16+$0x0] =	vst.idx.add.s32.msk $0xffff, v1  }
0x6e: {  	v15 =	vadd.s32 v3, v15;
	v13 =	vsel vm2, v13, v16;
	v17 =	vshra.s32 v11, $0x1F;
	[tilespmem:v18+s16+$0x0] =	vst.idx.add.s32.msk $0xffff, v1  }
0x6f: {  	v18 =	vshrl.u32 v17, $0x1;
	v17 =	vshra.s32 v16, $0x11;
	v16 =	vand.u32 $0xFFFFFFF0, v19  }
0x70: {  	_ = 	snop  }
0x71: {  	v11 =	vxor.u32 v11, v18  }
0x72: {  	v17 =	vand.u32 $0xFFFFFFF0, v17;
	vm2 =	vgt.s32 v8, v9;
	v6 =	vsel vm1, v7, v6  }
0x73: {  	vm3 =	vgt.s32 v11, v14;
	v17 =	vadd.s32 v3, v17;
	v18 =	vshra.s32 v11, $0x11  }
0x74: {  	[tilespmem:v15+s16+$0x0] =	vst.idx.add.s32.msk $0xffff, v1;
	v8 =	vsel vm2, v8, v9;
	v9 =	vsel vm3, v11, v14;
	v11 =	vand.u32 $0xFFFFFFF0, v18  }
0x75: {  	vm1 =	vgt.s32 v6, v8;
	vm2 =	vgt.s32 v13, v9;
	v7 =	vadd.s32 v3, v11  }
0x76: {  	v11 =	vadd.s32 v3, v16;
	v6 =	vsel vm1, v6, v8;
	v8 =	vsel vm2, v13, v9  }
.Ltmp2:
0x77: {  	[tilespmem:v10+s16+$0x0] =	vst.idx.add.s32.msk $0xffff, v1;
	vm1 =	vgt.s32 v6, v8;
	(pc) =	sbr.rel @!p0 .LBB2_10-.Ltmp2, $4  }
0x78: {  	[tilespmem:v12+s16+$0x0] =	vst.idx.add.s32.msk $0xffff, v1;
	v6 =	vsel vm1, v6, v8  }
0x79: {  	[tilespmem:v17+s16+$0x0] =	vst.idx.add.s32.msk $0xffff, v1;
	vm1 =	vgt.s32 v5, v6  }
0x7a: {  	[tilespmem:v7+s16+$0x0] =	vst.idx.add.s32.msk $0xffff, v1;
	v8 =	vsel vm1, v5, v6  }
0x7b: {  	v5 =	vimm.s32 $0x40;
	v7 =	vimm.s32 $0x0;
	v6 =	vimm.s32 $0x0;
	[tilespmem:v11+s16+$0x0] =	vst.idx.add.s32.msk $0xffff, v1  }
0x7c: {  	v5 =	vshra.s32 v8, $0x15  }
0x7d: {  	v5 =	vadd.s32 $0x80000400, v5  }
0x7e: {  	(xrf0) =	vmax.scan.msk.u32 $0xffff, v5;
	_ =	sdelay $0x5  }
0x7f: {  	v5, _, _ =	vpop (xrf0)  }
0x80: {  	(v2sf) =	vpush v5, $0xF;
	_ =	sdelay $0xe  }
0x81: {  	s24 =	spop (v2sf)  }
0x82: {  	s25 =	sshll.u32 s24, $0x6  }
0x83: {  	v6 =	vimm.s32 $0x0;
	s25 =	sshra.s32 s25, $0x2  }
0x84: {  	vm1 =	vmmov vm0;
	v8 =	vimm.s32 $0x0;
	v5 =	vimm.s32 $0x0;
	s24 =	sxor.u32 $0x80000000, s24;
	s25 =	sadd.s32 $0x10000, s25  }
.LBB2_8:
0x85: {  	v9 =	vld [tilespmem:s25+$0x0];
	_ =	sdelay $0x4  }
0x86: {  	v9 =	vadd.s32 v8, v9  }
0x87: {  	vm2 =	vgt.s32 v9, $0x3F  }
0x88: {  	vm2 =	vmand vm1, vm2;
	vm1 =	vlt.s32 v9, $0x40  }
0x89: {  	v10 =	vsel vm1, $0x3F800000, v4  }
0x8a: {  	(xrf0) =	vmax.scan.msk.f32 $0xffff, v10;
	_ =	sdelay $0x5  }
0x8b: {  	v10, _, _ =	vpop (xrf0)  }
0x8c: {  	(v2sf) =	vpush v10, $0xF;
	_ =	sdelay $0xe  }
0x8d: {  	s26 =	spop (v2sf)  }
0x8e: {  	p1 =	sgt.f32 s26, $0.0e+00  }
.Ltmp3:
0x8f: {  	_ = 	snop;
	(pc) =	sbr.rel @p1 .LBB2_8-.Ltmp3, $2  }
0x90: {  	_ =	sdelay $0x2  }
0x91: {  	s25 =	sadd.s32 $0xFFFFFFF0, s25;
	v6 =	vsel vm2, s24, v6;
	v5 =	vsel vm2, v8, v5;
	s24 =	sadd.s32 $0xFFFFFFFF, s24;
	v8 =	vmov v9  }
0x92: {  	v5 =	vsub.s32 $0x40, v5  }
.LBB2_10:
0x93: {  	s24 =	simm.s32 $0x0  }
0x94: {  	v8 =	vld [tilespmem:s24+$0x0]  }
0x95: {  	v9 =	vld [tilespmem:s24+$0x10]  }
0x96: {  	v10 =	vld [tilespmem:s24+$0x20];
	_ =	sdelay $0x2  }
0x97: {  	v11 =	vshll.u32 v7, $0x4;
	vm1 =	vlt.s32 v7, $0x200;
	v21 =	vld [tilespmem:s24+$0x60];
	v12 =	vshra.s32 v8, $0x1F  }
0x98: {  	v14 =	vor.u32 v2, v11;
	v11 =	vshrl.u32 v12, $0x1;
	v12 =	vshra.s32 v9, $0x1F  }
0x99: {  	v15 =	vxor.u32 v8, v11;
	v8 =	vshrl.u32 v12, $0x1;
	v11 =	vshra.s32 v10, $0x1F  }
0x9a: {  	v12 =	vld [tilespmem:s24+$0x30];
	v16 =	vxor.u32 v9, v8;
	v8 =	vshrl.u32 v11, $0x1;
	v9 =	vshra.s32 v15, $0x15  }
0x9b: {  	v17 =	vxor.u32 v10, v8;
	v8 =	vadd.s32 $0x400, v9;
	v9 =	vshra.s32 v16, $0x15  }
0x9c: {  	v24 =	vshra.s32 v21, $0x1F;
	vm2 =	vge.s32 v8, v6;
	v8 =	vadd.s32 $0x400, v9  }
0x9d: {  	v9 =	vshra.s32 v17, $0x15;
	v10 =	vsel vm2, $0x1, v0;
	vm3 =	vge.s32 v8, v6  }
0x9e: {  	v13 =	vld [tilespmem:s24+$0x50];
	vm1 =	vmand vm1, vm2;
	v9 =	vadd.s32 $0x400, v9;
	v11 =	vsel vm3, $0x1, v0  }
0x9f: {  	v8 =	vld [tilespmem:s24+$0x40];
	v10 =	vadd.s32 v10, v7;
	v7 =	vshra.s32 v12, $0x1F;
	vm4 =	vge.s32 v9, v6  }
0xa0: {  	v11 =	vadd.s32 v11, v10;
	vm2 =	vlt.s32 v10, $0x200;
	v7 =	vshrl.u32 v7, $0x1  }
0xa1: {  	v10 =	vshll.u32 v10, $0x4;
	vm2 =	vmand vm3, vm2;
	v7 =	vxor.u32 v12, v7  }
0xa2: {  	vm3 =	vlt.s32 v11, $0x200;
	v9 =	vshll.u32 v11, $0x4;
	v12 =	vsel vm4, $0x1, v0  }
0xa3: {  	v10 =	vor.u32 v2, v10;
	v18 =	vshra.s32 v7, $0x15;
	vm3 =	vmand vm4, vm3  }
0xa4: {  	v20 =	vadd.s32 v12, v11;
	v11 =	vshra.s32 v13, $0x1F;
	v19 =	vshra.s32 v8, $0x1F  }
0xa5: {  	v18 =	vadd.s32 $0x400, v18;
	v11 =	vshrl.u32 v11, $0x1;
	v22 =	vshll.u32 v20, $0x4  }
0xa6: {  	vm15 =	vge.s32 v18, v6;
	v12 =	vshrl.u32 v19, $0x1;
	v19 =	vor.u32 v2, v9  }
0xa7: {  	vm5 =	vlt.s32 v20, $0x200;
	v18 =	vsel vm15, $0x1, v0;
	v9 =	vxor.u32 v8, v12  }
0xa8: {  	v8 =	vxor.u32 v13, v11;
	v11 =	vor.u32 v2, v22;
	v12 =	vld [tilespmem:s24+$0x70];
	[tilespmem:v14+s17+$0x0] =	vst.idx.msk vm1, v15;
	vm1 =	vmand vm15, vm5  }
0xa9: {  	v15 =	vshrl.u32 v24, $0x1;
	v63 =	vshra.s32 v9, $0x15;
	v13 =	vadd.s32 v18, v20  }
0xaa: {  	v23 =	vshra.s32 v8, $0x15;
	[tilespmem:v10+s17+$0x0] =	vst.idx.msk vm2, v16;
	vm2 =	vlt.s32 v13, $0x200;
	v14 =	vshll.u32 v13, $0x4  }
0xab: {  	s25 =	simm.s32 $0x200;
	s24 =	sor.u32 s4, s23;
	v10 =	vxor.u32 v21, v15;
	v15 =	vadd.s32 $0x400, v63;
	v16 =	vadd.s32 $0x400, v23;
	[tilespmem:v19+s17+$0x0] =	vst.idx.msk vm3, v17  }
.LBB2_11:
0xac: {  	p1 =	sne.s32 s25, $0x3FE00;
	vm3 =	vge.s32 v16, v6;
	v16 =	vshra.s32 v10, $0x15;
	v14 =	vor.u32 v2, v14;
	s26 =	smov.u32 s25;
	s25 =	sadd.s32 $0x200, s25  }
0xad: {  	vm4 =	vge.s32 v15, v6;
	v15 =	vsel vm3, $0x1, v0;
	v16 =	vadd.s32 $0x400, v16  }
0xae: {  	v17 =	vshra.s32 v12, $0x1F;
	v18 =	vsel vm4, $0x1, v0;
	vm2 =	vmand vm4, vm2  }
0xaf: {  	v17 =	vshrl.u32 v17, $0x1;
	vm4 =	vge.s32 v16, v6;
	v13 =	vadd.s32 v18, v13  }
0xb0: {  	v12 =	vxor.u32 v12, v17;
	v15 =	vadd.s32 v15, v13;
	vm5 =	vlt.s32 v13, $0x200  }
0xb1: {  	v16 =	vshra.s32 v12, $0x15;
	[tilespmem:v11+s17+$0x0] =	vst.idx.msk vm1, v7;
	vm1 =	vmand vm3, vm5;
	v7 =	vshll.u32 v13, $0x4  }
0xb2: {  	vm3 =	vlt.s32 v15, $0x200;
	v11 =	vshll.u32 v15, $0x4;
	v7 =	vor.u32 v2, v7  }
0xb3: {  	v13 =	vsel vm4, $0x1, v0;
	v16 =	vadd.s32 $0x400, v16;
	vm3 =	vmand vm4, vm3  }
0xb4: {  	v13 =	vadd.s32 v13, v15;
	[tilespmem:v14+s17+$0x0] =	vst.idx.msk vm2, v9;
	v9 =	vor.u32 v2, v11  }
0xb5: {  	vm4 =	vlt.s32 v13, $0x200;
	vm2 =	vge.s32 v16, v6;
	v11 =	vshll.u32 v13, $0x4  }
0xb6: {  	v14 =	vsel vm2, $0x1, v0;
	vm2 =	vmand vm2, vm4;
	v11 =	vor.u32 v2, v11  }
0xb7: {  	v13 =	vadd.s32 v14, v13  }
0xb8: {  	[tilespmem:v7+s17+$0x0] =	vst.idx.msk vm1, v8;
	vm1 =	vlt.s32 v13, $0x200  }
0xb9: {  	[tilespmem:v9+s17+$0x0] =	vst.idx.msk vm3, v10;
	v7 =	vnsel vm1, $0x200, v13  }
0xba: {  	v8 =	vshll.u32 v7, $0x4;
	_ =	sdelay $0x1  }
0xbb: {  	s26 =	sshra.s32 s26, $0x2;
	[tilespmem:v11+s17+$0x0] =	vst.idx.msk vm2, v12  }
0xbc: {  	v9 =	vld [tilespmem:s26+$0x0]  }
0xbd: {  	v10 =	vld [tilespmem:s26+$0x10]  }
0xbe: {  	v11 =	vld [tilespmem:s26+$0x20];
	_ =	sdelay $0x1  }
0xbf: {  	v12 =	vld [tilespmem:s26+$0x30]  }
0xc0: {  	v14 =	vor.u32 v2, v8;
	v13 =	vshra.s32 v9, $0x1F  }
0xc1: {  	vm1 =	vlt.s32 v7, $0x200;
	v8 =	vshrl.u32 v13, $0x1;
	v13 =	vshra.s32 v10, $0x1F  }
0xc2: {  	v15 =	vxor.u32 v9, v8;
	v8 =	vshrl.u32 v13, $0x1;
	v9 =	vshra.s32 v11, $0x1F  }
0xc3: {  	v10 =	vxor.u32 v10, v8;
	v8 =	vshrl.u32 v9, $0x1;
	v9 =	vshra.s32 v15, $0x15  }
0xc4: {  	v17 =	vxor.u32 v11, v8;
	v8 =	vld [tilespmem:s26+$0x40];
	v9 =	vadd.s32 $0x400, v9;
	v11 =	vshra.s32 v10, $0x15  }
0xc5: {  	vm2 =	vge.s32 v9, v6;
	v9 =	vadd.s32 $0x400, v11;
	v11 =	vshra.s32 v17, $0x15  }
0xc6: {  	v13 =	vsel vm2, $0x1, v0;
	vm3 =	vge.s32 v9, v6;
	vm1 =	vmand vm1, vm2  }
0xc7: {  	v11 =	vadd.s32 $0x400, v11;
	v9 =	vsel vm3, $0x1, v0;
	v13 =	vadd.s32 v13, v7  }
0xc8: {  	v7 =	vshra.s32 v12, $0x1F;
	v16 =	vld [tilespmem:s26+$0x50];
	v9 =	vadd.s32 v9, v13;
	vm2 =	vlt.s32 v13, $0x200  }
0xc9: {  	vm4 =	vge.s32 v11, v6;
	v7 =	vshrl.u32 v7, $0x1;
	vm2 =	vmand vm3, vm2  }
0xca: {  	v7 =	vxor.u32 v12, v7;
	vm3 =	vlt.s32 v9, $0x200;
	v11 =	vshll.u32 v9, $0x4  }
0xcb: {  	v12 =	vsel vm4, $0x1, v0;
	v18 =	vshra.s32 v7, $0x15;
	vm3 =	vmand vm4, vm3  }
0xcc: {  	v19 =	vshra.s32 v8, $0x1F;
	v21 =	vadd.s32 v12, v9;
	v18 =	vadd.s32 $0x400, v18;
	v20 =	vld [tilespmem:s26+$0x60]  }
0xcd: {  	v12 =	vshll.u32 v13, $0x4;
	vm4 =	vge.s32 v18, v6;
	v9 =	vshra.s32 v16, $0x1F  }
0xce: {  	v22 =	vor.u32 v2, v12;
	v18 =	vsel vm4, $0x1, v0;
	v13 =	vshrl.u32 v9, $0x1  }
0xcf: {  	v9 =	vshrl.u32 v19, $0x1;
	v19 =	vor.u32 v2, v11;
	v11 =	vshll.u32 v21, $0x4  }
.Ltmp4:
0xd0: {  	v9 =	vxor.u32 v8, v9;
	v8 =	vxor.u32 v16, v13;
	v11 =	vor.u32 v2, v11;
	(pc) =	sbr.rel @p1 .LBB2_11-.Ltmp4, $4  }
0xd1: {  	vm5 =	vlt.s32 v21, $0x200;
	v16 =	vshra.s32 v9, $0x15;
	v23 =	vshra.s32 v8, $0x15;
	v12 =	vld [tilespmem:s26+$0x70]  }
0xd2: {  	v13 =	vadd.s32 v18, v21;
	v24 =	vshra.s32 v20, $0x1F;
	[tilespmem:v14+s17+$0x0] =	vst.idx.msk vm1, v15;
	vm1 =	vmand vm4, vm5  }
0xd3: {  	v15 =	vshrl.u32 v24, $0x1;
	v14 =	vshll.u32 v13, $0x4;
	[tilespmem:v22+s17+$0x0] =	vst.idx.msk vm2, v10;
	vm2 =	vlt.s32 v13, $0x200  }
0xd4: {  	v10 =	vxor.u32 v20, v15;
	v15 =	vadd.s32 $0x400, v16;
	v16 =	vadd.s32 $0x400, v23;
	[tilespmem:v19+s17+$0x0] =	vst.idx.msk vm3, v17  }
0xd5: {  	vm3 =	vge.s32 v16, v6;
	v57 =	vshra.s32 v10, $0x15;
	v14 =	vor.u32 v2, v14  }
0xd6: {  	vm4 =	vge.s32 v15, v6;
	v58 =	vsel vm3, $0x1, v0;
	v16 =	vadd.s32 $0x400, v57  }
0xd7: {  	v17 =	vshra.s32 v12, $0x1F;
	v18 =	vsel vm4, $0x1, v0;
	vm2 =	vmand vm4, vm2  }
0xd8: {  	v17 =	vshrl.u32 v17, $0x1;
	vm13 =	vge.s32 v16, v6;
	v13 =	vadd.s32 v18, v13  }
0xd9: {  	v59 =	vxor.u32 v12, v17;
	v15 =	vadd.s32 v58, v13;
	vm5 =	vlt.s32 v13, $0x200  }
0xda: {  	v13 =	vshll.u32 v13, $0x4;
	v61 =	vsel vm13, $0x1, v0;
	v60 =	vshra.s32 v59, $0x15  }
0xdb: {  	vm3 =	vmand vm3, vm5;
	v13 =	vor.u32 v2, v13;
	vm14 =	vlt.s32 v15, $0x200  }
0xdc: {  	v62 =	vshll.u32 v15, $0x4;
	v15 =	vadd.s32 v61, v15;
	v16 =	vadd.s32 $0x400, v60  }
0xdd: {  	vm4 =	vmand vm13, vm14;
	vm6 =	vlt.s32 v15, $0x200;
	vm15 =	vge.s32 v16, v6  }
0xde: {  	s25 =	sadd.s32 $0x1, s24;
	v63 =	vor.u32 v2, v62;
	v17 =	vshll.u32 v15, $0x4;
	vm6 =	vmand vm15, vm6  }
0xdf: {  	s26 =	smov.u32 s8;
	p1 =	slt.s32 s25, s8;
	v17 =	vor.u32 v2, v17  }
0xe0: {  	[tilespmem:v11+s17+$0x0] =	vst.idx.msk vm1, v7;
	s26 =	smov.u32 @p1 s25  }
0xe1: {  	s25 =	sshll.u32 s26, $0x1;
	s26 =	sshll.u32 s26, $0xD;
	[tilespmem:v14+s17+$0x0] =	vst.idx.msk vm2, v9  }
0xe2: {  	s25 =	sand.u32 $0x7E, s25;
	s26 =	sand.u32 $0xFF80000, s26;
	[tilespmem:v13+s17+$0x0] =	vst.idx.msk vm3, v8  }
0xe3: {  	s25 =	sor.u32 s25, s26;
	[tilespmem:v63+s17+$0x0] =	vst.idx.msk vm4, v10  }
0xe4: {  	s26 =	sadd.s32 s3, s25;
	[tilespmem:v17+s17+$0x0] =	vst.idx.msk vm6, v59  }
0xe5: {  	[tilespmem:s1], [sflag:$0x1] =	stream.strided.gather [hbm4b:s26+s11], $0x8000, s12, s11, $0x38;
	[tilespmem:$0x1B000] =	vst v63  }
0xe6: {  	s25 =	sadd.s32 s25, s6  }
0xe7: {  	[tilespmem:s13], [sflag:$0x2] =	stream.strided.gather [hbm4b:s25+s11], $0x8000, s12, s11, $0x38;
	[tilespmem:$0x1B000] =	vst v63  }
0xe8: {  	v7 =	vsel vm15, $0x1, v0;
	s25 =	simm.s32 $0x18020  }
0xe9: {  	v7 =	vadd.s32 v7, v15;
	[tilespmem:s25+$0xFFFFFFE0] =	vst v0  }
0xea: {  	vm1 =	vlt.s32 v7, $0x200;
	[tilespmem:s25+$0x10] =	vst v0  }
0xeb: {  	v7 =	vnsel vm1, $0x200, v7;
	s26 =	simm.s32 $0x0;
	[tilespmem:s25+$0x0] =	vst v0  }
.LBB2_13:
0xec: {  	s26 =	sadd.s32 $0x4, s26  }
0xed: {  	[tilespmem:s25+$0xFFFFFFF0] =	vst v0;
	s25 =	sadd.s32 $0x40, s25;
	p1 =	slt.u32 s26, $0x7C  }
.Ltmp5:
0xee: {  	[tilespmem:s25+$0xFFFFFFE0] =	vst v0;
	(pc) =	sbr.rel @p1 .LBB2_13-.Ltmp5, $3  }
0xef: {  	_ =	sdelay $0x1  }
0xf0: {  	[tilespmem:s25+$0x10] =	vst v0  }
0xf1: {  	[tilespmem:s25+$0x0] =	vst v0  }
0xf2: {  	v8 =	vxor.u32 $0x80000000, v7  }
0xf3: {  	(xrf0) =	vmax.scan.msk.u32 $0xffff, v8;
	_ =	sdelay $0x5  }
0xf4: {  	v8, _, _ =	vpop (xrf0)  }
0xf5: {  	(v2sf) =	vpush v8, $0xF;
	_ =	sdelay $0xe  }
0xf6: {  	s31 =	spop (v2sf)  }
0xf7: {  	[tilespmem:s25+$0xFFFFFFF0] =	vst v0;
	s25 =	sxor.u32 $0x80000000, s31  }
0xf8: {  	p1 =	sgt.s32 s25, $0x0  }
.Ltmp6:
0xf9: {  	_ = 	snop;
	(pc) =	sbr.rel @!p1 .LBB2_18-.Ltmp6, $1  }
0xfa: {  	_ =	sdelay $0x3  }
0xfb: {  	s26 =	simm.s32 $0x18800  }
0xfc: {  	v8 =	vld [tilespmem:s26+$0x0];
	_ =	sdelay $0x3  }
0xfd: {  	p2 =	sne.s32 s25, $0x1  }
.Ltmp7:
0xfe: {  	v9 =	vshrl.u32 v8, $0x15;
	(pc) =	sbr.rel @!p2 .LBB2_17-.Ltmp7, $4  }
0xff: {  	s28 =	simm.s32 $0x0;
	v9 =	vxor.u32 v6, v9  }
0x100: {  	vm1 =	vgt.s32 v7, s28;
	v8 =	vshrl.u32 v8, $0xA;
	vm2 =	veq.s32 v9, $0x400  }
0x101: {  	v8 =	vand.u32 $0x7F0, v8;
	vm1 =	vmand vm1, vm2  }
0x102: {  	s28 =	simm.s32 $0x1;
	v8 =	vor.u32 v2, v8  }
.LBB2_16:
0x103: {  	_ =	sdelay $0x3  }
0x104: {  	[tilespmem:v8+s18+$0x0] =	vst.idx.add.s32.msk vm1, v1;
	s26 =	sadd.s32 $0x10, s26;
	s29 =	smov.u32 s28;
	s28 =	sadd.s32 $0x1, s28  }
0x105: {  	v8 =	vld [tilespmem:s26+$0x0];
	p2 =	sne.s32 s25, s28;
	_ =	sdelay $0x4  }
.Ltmp8:
0x106: {  	v9 =	vshrl.u32 v8, $0x15;
	v8 =	vshrl.u32 v8, $0xA;
	(pc) =	sbr.rel @p2 .LBB2_16-.Ltmp8, $4  }
0x107: {  	v9 =	vxor.u32 v6, v9;
	v8 =	vand.u32 $0x7F0, v8  }
0x108: {  	vm1 =	vgt.s32 v7, s29;
	vm2 =	veq.s32 v9, $0x400  }
0x109: {  	vm1 =	vmand vm1, vm2  }
0x10a: {  	v8 =	vor.u32 v2, v8  }
.LBB2_17:
0x10b: {  	_ =	sdelay $0x4  }
0x10c: {  	[tilespmem:v8+s18+$0x0] =	vst.idx.add.s32.msk vm1, v1  }
.LBB2_18:
0x10d: {  	s26 =	simm.s32 $0x187F0  }
0x10e: {  	p2 =	por $0x0, $0x0;
	v9 =	vld [tilespmem:s26+$0x0]  }
.Ltmp9:
0x10f: {  	_ = 	snop;
	(pc) =	sbr.rel @p2 .LBB2_20-.Ltmp9, $3  }
0x110: {  	_ =	sdelay $0x1  }
0x111: {  	v8 =	vimm.s32 $0x0  }
0x112: {  	s28 =	simm.s32 $0x7E;
	s29 =	simm.s32 $0x187E0;
	v10 =	vimm.s32 $0x0;
	v11 =	vimm.s32 $0x0;
	s26 =	simm.s32 $0x7F;
	v9 =	vadd.s32 v8, v9  }
.LBB2_19:
0x113: {  	v12 =	vld [tilespmem:s29+$0x0];
	p2 =	seq.s32 s28, $0x0;
	vm1 =	vlt.s32 v8, v5;
	vm2 =	vge.s32 v9, v5;
	s30 =	smov.u32 s28;
	s28 =	sadd.s32 $0xFFFFFFFF, s28  }
.Ltmp10:
0x114: {  	vm1 =	vmand vm1, vm2;
	(pc) =	sbr.rel @!p2 .LBB2_19-.Ltmp10, $2  }
0x115: {  	v10 =	vsel vm1, s26, v10;
	v11 =	vsel vm1, v8, v11;
	v8 =	vmov v9;
	s26 =	smov.u32 s30;
	_ =	sdelay $0x2  }
0x116: {  	s29 =	sadd.s32 $0xFFFFFFF0, s29;
	v9 =	vadd.s32 v9, v12  }
.LBB2_20:
0x117: {  	vm1 =	vlt.s32 v8, v5;
	vm2 =	vge.s32 v9, v5  }
0x118: {  	vm1 =	vmand vm1, vm2  }
0x119: {  	v9 =	vsel vm1, s26, v10;
	s26 =	simm.s32 $0x18020  }
0x11a: {  	[tilespmem:s26+$0xFFFFFFE0] =	vst v0  }
0x11b: {  	[tilespmem:s26+$0x10] =	vst v0  }
0x11c: {  	s28 =	simm.s32 $0x0;
	v8 =	vsel vm1, v8, v11;
	[tilespmem:s26+$0x0] =	vst v0  }
.LBB2_21:
0x11d: {  	s28 =	sadd.s32 $0x4, s28  }
0x11e: {  	[tilespmem:s26+$0xFFFFFFF0] =	vst v0;
	s26 =	sadd.s32 $0x40, s26;
	p2 =	slt.u32 s28, $0x7C  }
.Ltmp11:
0x11f: {  	[tilespmem:s26+$0xFFFFFFE0] =	vst v0;
	(pc) =	sbr.rel @p2 .LBB2_21-.Ltmp11, $3  }
0x120: {  	_ =	sdelay $0x1  }
0x121: {  	[tilespmem:s26+$0x10] =	vst v0  }
0x122: {  	[tilespmem:s26+$0x0] =	vst v0  }
.Ltmp12:
0x123: {  	(pc) =	sbr.rel @!p1 .LBB2_26-.Ltmp12, $3  }
0x124: {  	_ =	sdelay $0x1  }
0x125: {  	v6 =	vshll.u32 v6, $0x7  }
0x126: {  	[tilespmem:s26+$0xFFFFFFF0] =	vst v0;
	v6 =	vadd.s32 v6, v9  }
0x127: {  	s26 =	simm.s32 $0x18800  }
0x128: {  	v9 =	vld [tilespmem:s26+$0x0];
	_ =	sdelay $0x3  }
0x129: {  	p2 =	sne.s32 s25, $0x1  }
.Ltmp13:
0x12a: {  	v10 =	vshrl.u32 v9, $0xE;
	(pc) =	sbr.rel @!p2 .LBB2_25-.Ltmp13, $4  }
0x12b: {  	s28 =	simm.s32 $0x0;
	v10 =	vxor.u32 v6, v10  }
0x12c: {  	vm1 =	vgt.s32 v7, s28;
	v9 =	vshrl.u32 v9, $0x3;
	vm2 =	veq.s32 v10, $0x20000  }
0x12d: {  	v9 =	vand.u32 $0x7F0, v9;
	vm1 =	vmand vm1, vm2  }
0x12e: {  	s28 =	simm.s32 $0x1;
	v9 =	vor.u32 v2, v9  }
.LBB2_24:
0x12f: {  	_ =	sdelay $0x3  }
0x130: {  	[tilespmem:v9+s18+$0x0] =	vst.idx.add.s32.msk vm1, v1;
	s26 =	sadd.s32 $0x10, s26;
	s29 =	smov.u32 s28;
	s28 =	sadd.s32 $0x1, s28  }
0x131: {  	v9 =	vld [tilespmem:s26+$0x0];
	p2 =	sne.s32 s25, s28;
	_ =	sdelay $0x4  }
.Ltmp14:
0x132: {  	v10 =	vshrl.u32 v9, $0xE;
	v9 =	vshrl.u32 v9, $0x3;
	(pc) =	sbr.rel @p2 .LBB2_24-.Ltmp14, $4  }
0x133: {  	v10 =	vxor.u32 v6, v10;
	v9 =	vand.u32 $0x7F0, v9  }
0x134: {  	vm1 =	vgt.s32 v7, s29;
	vm2 =	veq.s32 v10, $0x20000  }
0x135: {  	vm1 =	vmand vm1, vm2  }
0x136: {  	v9 =	vor.u32 v2, v9  }
.LBB2_25:
0x137: {  	_ =	sdelay $0x4  }
0x138: {  	[tilespmem:v9+s18+$0x0] =	vst.idx.add.s32.msk vm1, v1  }
.LBB2_26:
0x139: {  	s26 =	simm.s32 $0x187F0  }
0x13a: {  	p2 =	por $0x0, $0x0;
	v9 =	vld [tilespmem:s26+$0x0]  }
.Ltmp15:
0x13b: {  	_ = 	snop;
	(pc) =	sbr.rel @p2 .LBB2_28-.Ltmp15, $3  }
0x13c: {  	_ =	sdelay $0x1  }
0x13d: {  	v5 =	vsub.s32 v5, v8;
	v8 =	vimm.s32 $0x0  }
0x13e: {  	s28 =	simm.s32 $0x7E;
	s29 =	simm.s32 $0x187E0;
	v10 =	vimm.s32 $0x0;
	v11 =	vimm.s32 $0x0;
	s26 =	simm.s32 $0x7F;
	v9 =	vadd.s32 v8, v9  }
.LBB2_27:
0x13f: {  	v12 =	vld [tilespmem:s29+$0x0];
	p2 =	seq.s32 s28, $0x0;
	vm1 =	vlt.s32 v8, v5;
	vm2 =	vge.s32 v9, v5;
	s30 =	smov.u32 s28;
	s28 =	sadd.s32 $0xFFFFFFFF, s28  }
.Ltmp16:
0x140: {  	vm1 =	vmand vm1, vm2;
	(pc) =	sbr.rel @!p2 .LBB2_27-.Ltmp16, $2  }
0x141: {  	v10 =	vsel vm1, s26, v10;
	v11 =	vsel vm1, v8, v11;
	v8 =	vmov v9;
	s26 =	smov.u32 s30;
	_ =	sdelay $0x2  }
0x142: {  	s29 =	sadd.s32 $0xFFFFFFF0, s29;
	v9 =	vadd.s32 v9, v12  }
.LBB2_28:
0x143: {  	vm1 =	vlt.s32 v8, v5;
	vm2 =	vge.s32 v9, v5  }
0x144: {  	vm1 =	vmand vm1, vm2  }
0x145: {  	v9 =	vsel vm1, s26, v10;
	s26 =	simm.s32 $0x18020  }
0x146: {  	[tilespmem:s26+$0xFFFFFFE0] =	vst v0  }
0x147: {  	[tilespmem:s26+$0x10] =	vst v0  }
0x148: {  	s28 =	simm.s32 $0x0;
	v8 =	vsel vm1, v8, v11;
	[tilespmem:s26+$0x0] =	vst v0  }
.LBB2_29:
0x149: {  	s28 =	sadd.s32 $0x4, s28  }
0x14a: {  	[tilespmem:s26+$0xFFFFFFF0] =	vst v0;
	s26 =	sadd.s32 $0x40, s26;
	p2 =	slt.u32 s28, $0x7C  }
.Ltmp17:
0x14b: {  	[tilespmem:s26+$0xFFFFFFE0] =	vst v0;
	(pc) =	sbr.rel @p2 .LBB2_29-.Ltmp17, $3  }
0x14c: {  	_ =	sdelay $0x1  }
0x14d: {  	[tilespmem:s26+$0x10] =	vst v0  }
0x14e: {  	[tilespmem:s26+$0x0] =	vst v0  }
.Ltmp18:
0x14f: {  	(pc) =	sbr.rel @!p1 .LBB2_34-.Ltmp18, $3  }
0x150: {  	_ =	sdelay $0x1  }
0x151: {  	v6 =	vshll.u32 v6, $0x7  }
0x152: {  	[tilespmem:s26+$0xFFFFFFF0] =	vst v0;
	v6 =	vadd.s32 v6, v9  }
0x153: {  	s26 =	simm.s32 $0x18800  }
0x154: {  	v9 =	vld [tilespmem:s26+$0x0];
	_ =	sdelay $0x3  }
0x155: {  	p1 =	sne.s32 s25, $0x1  }
.Ltmp19:
0x156: {  	v10 =	vshrl.u32 v9, $0x7;
	(pc) =	sbr.rel @!p1 .LBB2_33-.Ltmp19, $4  }
0x157: {  	s28 =	simm.s32 $0x0;
	v10 =	vxor.u32 v6, v10  }
0x158: {  	vm1 =	vgt.s32 v7, s28;
	v9 =	vshll.u32 v9, $0x4;
	vm2 =	veq.s32 v10, $0x1000000  }
0x159: {  	v9 =	vand.u32 $0x7F0, v9;
	vm1 =	vmand vm1, vm2  }
0x15a: {  	s28 =	simm.s32 $0x1;
	v9 =	vor.u32 v2, v9  }
.LBB2_32:
0x15b: {  	_ =	sdelay $0x3  }
0x15c: {  	[tilespmem:v9+s18+$0x0] =	vst.idx.add.s32.msk vm1, v1;
	s26 =	sadd.s32 $0x10, s26;
	s29 =	smov.u32 s28;
	s28 =	sadd.s32 $0x1, s28  }
0x15d: {  	v9 =	vld [tilespmem:s26+$0x0];
	p1 =	sne.s32 s25, s28;
	_ =	sdelay $0x4  }
.Ltmp20:
0x15e: {  	v10 =	vshrl.u32 v9, $0x7;
	v9 =	vshll.u32 v9, $0x4;
	(pc) =	sbr.rel @p1 .LBB2_32-.Ltmp20, $4  }
0x15f: {  	v10 =	vxor.u32 v6, v10;
	v9 =	vand.u32 $0x7F0, v9  }
0x160: {  	vm1 =	vgt.s32 v7, s29;
	vm2 =	veq.s32 v10, $0x1000000  }
0x161: {  	vm1 =	vmand vm1, vm2  }
0x162: {  	v9 =	vor.u32 v2, v9  }
.LBB2_33:
0x163: {  	_ =	sdelay $0x4  }
0x164: {  	[tilespmem:v9+s18+$0x0] =	vst.idx.add.s32.msk vm1, v1  }
.LBB2_34:
0x165: {  	s26 =	simm.s32 $0x187F0  }
0x166: {  	v9 =	vld [tilespmem:s26+$0x0];
	_ =	sdelay $0x3  }
0x167: {  	v5 =	vsub.s32 v5, v8;
	v8 =	vimm.s32 $0x0  }
0x168: {  	s28 =	simm.s32 $0x7E;
	s29 =	simm.s32 $0x187E0;
	v10 =	vimm.s32 $0x0;
	s26 =	simm.s32 $0x7F;
	v11 =	vadd.s32 v8, v9;
	v9 =	vimm.s32 $0x0  }
.LBB2_35:
0x169: {  	v12 =	vld [tilespmem:s29+$0x0];
	p1 =	sne.s32 s28, $0x0;
	vm1 =	vlt.s32 v8, v5;
	vm2 =	vge.s32 v11, v5;
	s30 =	smov.u32 s28;
	s28 =	sadd.s32 $0xFFFFFFFF, s28  }
.Ltmp21:
0x16a: {  	vm1 =	vmand vm1, vm2;
	(pc) =	sbr.rel @p1 .LBB2_35-.Ltmp21, $2  }
0x16b: {  	v9 =	vsel vm1, s26, v9;
	v10 =	vsel vm1, v8, v10;
	v8 =	vmov v11;
	s26 =	smov.u32 s30;
	_ =	sdelay $0x2  }
0x16c: {  	s29 =	sadd.s32 $0xFFFFFFF0, s29;
	v11 =	vadd.s32 v11, v12  }
0x16d: {  	p1 =	slt.s32 s25, $0x1  }
.Ltmp22:
0x16e: {  	_ = 	snop;
	(pc) =	sbr.rel @p1 .LBB2_40-.Ltmp22, $4  }
0x16f: {  	_ = 	snop  }
0x170: {  	vm1 =	vlt.s32 v8, v5;
	vm2 =	vge.s32 v11, v5  }
0x171: {  	vm1 =	vmand vm1, vm2  }
0x172: {  	v9 =	vsel vm1, s26, v9;
	v10 =	vsel vm1, v8, v10  }
0x173: {  	s26 =	simm.s32 $0x18800  }
0x174: {  	v8 =	vld [tilespmem:s26+$0x0];
	_ =	sdelay $0x1  }
0x175: {  	v6 =	vshll.u32 v6, $0x7  }
0x176: {  	v6 =	vadd.s32 v6, v9  }
0x177: {  	v5 =	vsub.s32 v5, v10;
	v10 =	vimm.s32 $0x0;
	v6 =	vxor.u32 $0x80000000, v6  }
0x178: {  	p1 =	sne.s32 s25, $0x1;
	vm2 =	vlt.s32 v10, v5;
	vm1 =	veq.s32 v8, v6  }
.Ltmp23:
0x179: {  	s28 =	simm.s32 $0x0;
	vm3 =	vgt.s32 v8, v6;
	vm2 =	vmand vm2, vm1;
	(pc) =	sbr.rel @!p1 .LBB2_39-.Ltmp23, $4  }
0x17a: {  	vm4 =	vgt.s32 v7, s28;
	vm2 =	vmor vm3, vm2  }
0x17b: {  	v11 =	vshll.u32 v10, $0x4;
	vm3 =	vmand vm4, vm1;
	vm1 =	vmand vm4, vm2  }
0x17c: {  	v11 =	vor.u32 v2, v11;
	v9 =	vsel vm3, $0x1, v0;
	v12 =	vsel vm1, $0x1, v0  }
0x17d: {  	s28 =	simm.s32 $0x1;
	v9 =	vadd.s32 v9, v10;
	v10 =	vadd.s32 v12, v10  }
.LBB2_38:
0x17e: {  	_ =	sdelay $0x2  }
0x17f: {  	[tilespmem:v11+s19+$0x0] =	vst.idx.msk vm1, v8;
	s26 =	sadd.s32 $0x10, s26;
	s29 =	smov.u32 s28;
	s28 =	sadd.s32 $0x1, s28  }
0x180: {  	v8 =	vld [tilespmem:s26+$0x0];
	p1 =	sne.s32 s25, s28;
	_ =	sdelay $0x4  }
0x181: {  	vm3 =	vlt.s32 v9, v5;
	vm1 =	vgt.s32 v7, s29;
	vm2 =	veq.s32 v8, v6  }
.Ltmp24:
0x182: {  	vm4 =	vgt.s32 v8, v6;
	vm5 =	vmand vm1, vm2;
	vm2 =	vmand vm3, vm2;
	(pc) =	sbr.rel @p1 .LBB2_38-.Ltmp24, $4  }
0x183: {  	vm2 =	vmor vm4, vm2;
	v11 =	vsel vm5, $0x1, v0  }
0x184: {  	v12 =	vshll.u32 v10, $0x4;
	vm1 =	vmand vm1, vm2;
	v9 =	vadd.s32 v11, v9  }
0x185: {  	v11 =	vor.u32 v2, v12;
	v12 =	vsel vm1, $0x1, v0  }
0x186: {  	v10 =	vadd.s32 v12, v10  }
.LBB2_39:
0x187: {  	_ =	sdelay $0x4  }
0x188: {  	[tilespmem:v11+s19+$0x0] =	vst.idx.msk vm1, v8  }
.LBB2_40:
0x189: {  	s26 =	simm.s32 $0x1A820  }
0x18a: {  	v5 =	vld [tilespmem:s26+$0xFFFFFFE0];
	_ =	sdelay $0x4  }
0x18b: {  	vm1 =	vlt.s32 v5, $0x0;
	v6 =	vxor.u32 $0x7FFFFFFF, v5  }
0x18c: {  	s25 =	simm.s32 $0x1AC20;
	v5 =	vsel vm1, v6, v5  }
0x18d: {  	[tilespmem:s25+$0xFFFFFFE0] =	vst v5  }
0x18e: {  	v5 =	vld [tilespmem:s26+$0xFFFFFFF0];
	_ =	sdelay $0x4  }
0x18f: {  	vm1 =	vlt.s32 v5, $0x0;
	v6 =	vxor.u32 $0x7FFFFFFF, v5  }
0x190: {  	v5 =	vsel vm1, v6, v5  }
0x191: {  	[tilespmem:s25+$0xFFFFFFF0] =	vst v5  }
0x192: {  	v5 =	vld [tilespmem:s26+$0x0];
	_ =	sdelay $0x4  }
0x193: {  	vm1 =	vlt.s32 v5, $0x0;
	v6 =	vxor.u32 $0x7FFFFFFF, v5  }
0x194: {  	v5 =	vsel vm1, v6, v5  }
0x195: {  	[tilespmem:s25+$0x0] =	vst v5  }
0x196: {  	v5 =	vld [tilespmem:s26+$0x10];
	_ =	sdelay $0x4  }
0x197: {  	vm1 =	vlt.s32 v5, $0x0;
	v6 =	vxor.u32 $0x7FFFFFFF, v5  }
0x198: {  	v5 =	vsel vm1, v6, v5  }
0x199: {  	s28 =	simm.s32 $0x1A860;
	s26 =	simm.s32 $0x0;
	[tilespmem:s25+$0x10] =	vst v5  }
.LBB2_41:
0x19a: {  	v5 =	vld [tilespmem:s28+$0xFFFFFFE0];
	s26 =	sadd.s32 $0x4, s26  }
0x19b: {  	p1 =	slt.u32 s26, $0x3C;
	_ =	sdelay $0x3  }
0x19c: {  	vm1 =	vlt.s32 v5, $0x0;
	v6 =	vxor.u32 $0x7FFFFFFF, v5  }
0x19d: {  	s25 =	sadd.s32 $0x40, s25;
	v5 =	vsel vm1, v6, v5  }
0x19e: {  	[tilespmem:s25+$0xFFFFFFE0] =	vst v5  }
0x19f: {  	v5 =	vld [tilespmem:s28+$0xFFFFFFF0];
	_ =	sdelay $0x4  }
0x1a0: {  	vm1 =	vlt.s32 v5, $0x0;
	v6 =	vxor.u32 $0x7FFFFFFF, v5  }
0x1a1: {  	v5 =	vsel vm1, v6, v5  }
0x1a2: {  	[tilespmem:s25+$0xFFFFFFF0] =	vst v5  }
0x1a3: {  	v5 =	vld [tilespmem:s28+$0x0];
	_ =	sdelay $0x4  }
0x1a4: {  	vm1 =	vlt.s32 v5, $0x0;
	v6 =	vxor.u32 $0x7FFFFFFF, v5  }
0x1a5: {  	v5 =	vsel vm1, v6, v5  }
0x1a6: {  	[tilespmem:s25+$0x0] =	vst v5  }
0x1a7: {  	v5 =	vld [tilespmem:s28+$0x10];
	_ =	sdelay $0x2  }
.Ltmp25:
0x1a8: {  	(pc) =	sbr.rel @p1 .LBB2_41-.Ltmp25, $4  }
0x1a9: {  	_ = 	snop  }
0x1aa: {  	vm1 =	vlt.s32 v5, $0x0;
	v6 =	vxor.u32 $0x7FFFFFFF, v5  }
0x1ab: {  	v5 =	vsel vm1, v6, v5  }
0x1ac: {  	s28 =	sadd.s32 $0x40, s28;
	[tilespmem:s25+$0x10] =	vst v5  }
0x1ad: {  	s24 =	sshll.u32 s24, $0x1;
	s23 =	sadd.s32 $0x1, s23  }
0x1ae: {  	s24 =	sand.u32 $0x7E, s24;
	p1 =	sne.s32 s23, $0x8  }
.Ltmp26:
0x1af: {  	s24 =	sadd.s32 s24, s9;
	(pc) =	sbr.rel @p1 .LBB2_2-.Ltmp26, $4  }
0x1b0: {  	[hbm4b:s24+s11] =	stream.strided.scatter [tilespmem:s20], [sflag:$0x3], $0x400, s12, s11, $0x38;
	[tilespmem:$0x1B000] =	vst v63  }
0x1b1: {  	_ =	swait.ge [sflag:s21], $0x400  }
0x1b2: {  	[sflag:s21] =	ssyncset.done $0x0  }
0x1b3: {  	[sflag:s21] =	ssyncadd.s32 $0xFFFFFC00  }
0x1b4: {  	s22 =	sadd.s32 $0x1, s22  }
0x1b5: {  	_ =	swait.ge [sflag:s14], $0x8000;
	p1 =	sne.s32 s22, s10  }
.Ltmp27:
0x1b6: {  	[sflag:s14] =	ssyncset.done $0x0;
	(pc) =	sbr.rel @p1 .LBB2_1-.Ltmp27, $4  }
0x1b7: {  	[sflag:s14] =	ssyncadd.s32 $0xFFFF8000  }
0x1b8: {  	_ =	swait.ge [sflag:s15], $0x8000  }
0x1b9: {  	[sflag:s15] =	ssyncset.done $0x0  }
0x1ba: {  	[sflag:s15] =	ssyncadd.s32 $0xFFFF8000  }
0x1bb: {  	_ =	sfence.sel $0x180000  }
0x1bc: {  	[bflag:$0x0] =	sbarrier.arrive $0xFFFF  }
0x1bd: {  	p0 =	sne.s32 s2, $0x0;
	_ =	strace $0x9000004A  }
0x1be: {  	s0 =	sadd.s32 @!p0 $0x100000, s0;
	[bflag:$0x2] =	sbarrier.arrive $0xFFFF  }
0x1bf: {  	[sflag:s0] =	ssyncadd.tile.s32 @!p0 $0x1;
	_ =	shalt  }
.Lfunc_end2:
_tile_overlayer_lowered:
.L_overlay_start_2:
0x1c0: {  	(tag) =	ssettag $0x2  }
0x1c1: {  	s0 =	rddreg [dreg:$0x0];
	s2 =	stileid.u32  }
0x1c2: {  	s1 =	rddreg [dreg:$0x1];
	p0 =	sne.s32 s2, $0x0  }
0x1c3: {  	s3 =	rddreg [dreg:$0x2];
	[bflag:$0x3] =	sbarrier.arrive $0xFFFF;
	s2 =	simm.s32 @!p0 $0x1C03  }
0x1c4: {  	[timem:s3], [sflag:s2] =	dma.local @!p0 [hbm:s0], s1  }
0x1c5: {  	s0 =	simm.s32 @!p0 $0x3  }
0x1c6: {  	_ =	swait.ge @!p0 [sflag:s0], s1  }
0x1c7: {  	s1 =	ssub.s32 @!p0 $0x0, s1;
	[sflag:s0] =	ssyncset.done @!p0 $0x0  }
0x1c8: {  	[sflag:s0] =	ssyncadd.s32 @!p0 s1  }
0x1c9: {  	[bflag:$0x3] =	sbarrier.arrive $0xFFFF  }
0x1ca: {  	_ =	shalt  }

// kernel: sparse-core-data-format-call.cloned.1.call-start
scs
called_computation_lowered:
.L_overlay_start_0:
0x0: {  	s2 =	sld [smem:$0x3FD9]  }
0x1: {  	s3 =	sld [smem:$0x3FFE];
	_ =	sdelay $0x1  }
0x2: {  	s1 =	srdreg.scid  }
0x3: {  	s0 =	sand.u32 $0x1, s1  }
0x4: {  	s18 =	sshll.u32 s0, $0xA;
	s2 =	sadd.s32 s3, s2  }
0x5: {  	s2 =	sadd.s32 s2, s18  }
0x6: {  	[smem:$0x3FC7] =	sst s2  }
0x7: {  	_ = 	snop  }
0x8: {  	s2 =	sld [smem:$0x3FC9];
	(tm) =	ssettm $0x1  }
0x9: {  	s19 =	sld [smem:$0x3FFB];
	_ =	sdelay $0x3  }
0xa: {  	_ =	strace s19  }
0xb: {  	s3 =	sld [smem:$0x3FFC];
	_ =	sdelay $0x3  }
0xc: {  	_ =	strace s3  }
0xd: {  	s3 =	sld [smem:$0x3FFD];
	_ =	sdelay $0x3  }
0xe: {  	_ =	strace s3  }
0xf: {  	_ =	strace $0x8FFFFFFF  }
0x10: {  	s20 =	sld [smem:$0x3FDB];
	_ =	sdelay $0x1  }
0x11: {  	s4 =	simm.s32 $_scs_section_size  }
0x12: {  	s5 =	simm.s32 $_size__tile_overlayer_lowered;
	s6 =	simm.s32 $_tile_overlayer_lowered  }
0x13: {  	s23 =	simm.s32 $0x1BFF;
	s22 =	sshll.u32 s6, $0x1;
	s3 =	sadd.s32 s4, s20  }
0x14: {  	s7 =	simm.s32 $0x0;
	s21 =	sshll.u32 s5, $0x1;
	s5 =	sadd.s32 s22, s3  }
0x15: {  	[timem:s7], [sflag:s23] =	dma.local [hbm:s5], s21  }
0x16: {  	_ =	swait.ge [sflag:s23], s21  }
0x17: {  	s4 =	ssub.s32 $0x0, s21;
	[sflag:s23] =	ssyncset.done $0x0  }
0x18: {  	[sflag:s23] =	ssyncadd.s32 s4;
	_ =	sdelay $0x1  }
0x19: {  	s24 =	simm.s32 $0x1B8B  }
0x1a: {  	_ =	swait.ge [sflag:s24], $0x1  }
0x1b: {  	[sflag:s24] =	ssyncset.done $0x0  }
0x1c: {  	s26 =	simm.s32 $0x1B8E;
	s25 =	sld [smem:$0x3FFE];
	[sflag:s24] =	ssyncadd.s32 $0xFFFFFFFF  }
0x1d: {  	s27 =	simm.s32 $execute0_lowered;
	[smem:$0x3FD2] =	sst s26  }
0x1e: {  	s5 =	sshll.u32 s27, $0x1;
	_ =	strace $0x80000046;
	[dreg:$0x1] =	wrdreg $0xFFFFFFFF  }
0x1f: {  	s28 =	simm.s32 $_size_execute0_lowered;
	s3 =	sadd.s32 s3, s5;
	[dreg:$0x0] =	wrdreg $0x0  }
0x20: {  	s5 =	sshll.u32 s28, $0x1;
	[dreg:$0x2] =	wrdreg s3  }
0x21: {  	[dreg:$0x3] =	wrdreg s5  }
0x22: {  	[dreg:$0x4] =	wrdreg $0xC0  }
0x23: {  	_ =	task [dreg:s7], $0x5FFFF  }
0x24: {  	[dreg:$0x1] =	wrdreg $0xFFFFFFFF  }
0x25: {  	[dreg:$0x0] =	wrdreg $0x60  }
0x26: {  	[dreg:$0x2] =	wrdreg s2  }
0x27: {  	[dreg:$0x3] =	wrdreg s25  }
0x28: {  	[dreg:$0x4] =	wrdreg $0x9  }
0x29: {  	_ =	task.clear_ibuf [dreg:s7], $0x5FFFF;
	_ =	strace $0x90000046  }
0x2a: {  	s29 =	simm.s32 $0x9;
	_ =	strace $0x80000048  }
0x2b: {  	_ =	swait.ge [sflag:s29], $0x1  }
0x2c: {  	[sflag:s29] =	ssyncadd.s32 $0xFFFFFFFF  }
0x2d: {  	_ =	strace $0x90000048  }
0x2e: {  	_ =	sfence  }
0x2f: {  	s30 =	sld [smem:$0x0];
	_ =	sdelay $0x2  }
0x30: {  	s31 =	sshll.u32 s1, $0xD;
	s1 =	sshrl.u32 s1, $0x2  }
0x31: {  	s3 =	sand.u32 $0x4000, s31;
	s1 =	sadd.s32 s1, s30  }
0x32: {  	s0 =	sor.u32 s3, s0;
	s1 =	sshll.u32 s1, $0x11  }
0x33: {  	s0 =	sor.u32 s1, s0  }
0x34: {  	s0 =	sadd.s32 $0x8F2B, s0  }
0x35: {  	[sflag:s0] =	ssyncadd.remote.s32 $0x1  }
0x36: {  	_ =	sfence.sel $0xFFFF  }
0x37: {  	[dreg:$0x0] =	wrdreg $0xFFFFFFFF;
	(pc) =	sbr.abs _section_cstart, $3  }
0x38: {  	[dreg:$0x1] =	wrdreg $0xFFFFFFFF  }
0x39: {  	_ =	task.clear_ibuf [dreg:s7], $0x2FFFF;
	_ =	strace $0x9FFFFFFF  }
0x3a: {  	(tm) =	ssettm $0x7FFFFFFF  }
0x3b: {  	_ =	shalt  }
tec
execute0_lowered:
.L_overlay_start_1:
0x0: {  	(tag) =	ssettag $0x1  }
0x1: {  	s0 =	srdreg.scid  }
0x2: {  	s1 =	sshll.u32 s0, $0x4  }
0x3: {  	s2 =	rddreg [dreg:$0x0];
	s0 =	stileid.u32;
	s1 =	sand.u32 $0x10, s1  }
0x4: {  	s4 =	rddreg [dreg:$0x1];
	s7 =	simm.s32 $0x1;
	s1 =	sor.u32 s0, s1  }
0x5: {  	s8 =	simm.s32 $0x2;
	s9 =	simm.s32 $0x0;
	s3 =	sshll.u32 s1, $0x1  }
0x6: {  	s12 =	simm.s32 $0x0;
	s11 =	simm.s32 $0x0;
	s6 =	ssub.s32 $0x800, s3  }
.Ltmp0:
0x7: {  	s4 =	sadd.s32 $0x800, s4;
	s5 =	sand.u32 $0x3E, s6;
	(pc) =	sbr.rel .LBB1_1-.Ltmp0, $4  }
0x8: {  	s1 =	rddreg [dreg:$0x2];
	_ =	strace $0x80000047;
	p0 =	sne.s32 s5, $0x0  }
0x9: {  	s6 =	sshrl.u32 s6, $0x6;
	s5 =	simm.s32 $0x1;
	s7 =	simm.s32 @!p0 $0x0  }
0xa: {  	s10 =	smov.u32 s3;
	[sflag:s5] =	ssyncpa.u1 $0x0;
	s6 =	sadd.s32 s7, s6  }
0xb: {  	[sflag:s8] =	ssyncpa.u1 $0x0;
	s8 =	simm.s32 $0x0;
	s7 =	sadd.s32 $0x1, s6  }
.LBB1_9:
0xc: {  	s14 =	sadd.s32 $0x40, s10  }
0xd: {  	p1 =	sgt.s32 s14, $0x7FF  }
0xe: {  	s14 =	smov.u32 @p1 s3;
	p1 =	sne.s32 s11, s7  }
.Ltmp1:
0xf: {  	p0 =	slt.u32 s11, $0x2;
	(pc) =	sbr.rel @!p1 .LBB1_10-.Ltmp1, $4  }
0x10: {  	s13 =	simm.s32 @!p0 $0x2  }
0x11: {  	s15 =	sadd.s32 $0x1, s11;
	_ =	swait.ge @!p0 [sflag:s13], $0x4000  }
0x12: {  	s12 =	smov.u32 s10;
	s9 =	sadd.s32 $0x4000, s9;
	[sflag:s13] =	ssyncset.done @!p0 $0x0  }
0x13: {  	s11 =	smov.u32 s15;
	s10 =	smov.u32 s14;
	[sflag:s13] =	ssyncadd.s32 @!p0 $0xFFFFC000  }
.LBB1_1:
0x14: {  	p0 =	sge.u32 s11, s6  }
0x15: {  	s13 =	sxor.u32 @!p0 $0xFFFFFFFF, s11  }
0x16: {  	s31 =	sadd.s32 $0xFFFFFFFF, s11;
	s14 =	sshll.u32 @!p0 s10, $0xA;
	s13 =	sshll.u32 @!p0 s13, $0xE  }
0x17: {  	s15 =	simm.s32 @!p0 $0x0;
	s14 =	sadd.s32 @!p0 s2, s14;
	s13 =	sand.u32 @!p0 $0x4000, s13  }
0x18: {  	[tilespmem:s13], [sflag:$0x1] =	stream.linear.gather @!p0 [hbm4b:s14+s15], $0x4000, $0x38;
	[tilespmem:$0x10000] =	vst v63  }
0x19: {  	p0 =	sge.u32 s31, s6  }
.Ltmp2:
0x1a: {  	_ = 	snop;
	(pc) =	sbr.rel @p0 .LBB1_9-.Ltmp2, $1  }
0x1b: {  	_ =	sdelay $0x3  }
0x1c: {  	s13 =	sshll.u32 s9, $0x2  }
0x1d: {  	_ =	swait.ge [sflag:s5], $0x4000;
	s14 =	sshll.u32 s11, $0xE;
	s16 =	simm.s32 $0x0  }
0x1e: {  	p1 =	por $0x1, $0x1;
	s13 =	sand.u32 $0x10000, s13;
	[sflag:s5] =	ssyncset.done $0x0  }
0x1f: {  	s14 =	sand.u32 $0x4000, s14;
	s15 =	sshrl.u32 s13, $0x2;
	[sflag:s5] =	ssyncadd.s32 $0xFFFFC000  }
0x20: {  	s13 =	sor.u32 $0x8000, s14;
	s14 =	sadd.s32 $0x8040, s15;
	s15 =	sadd.s32 $0x40, s15  }
.LBB1_3:
0x21: {  	s16 =	sshll.u32 s16, $0x2  }
0x22: {  	p0 =	por p1, p1;
	s17 =	sshra.s32 s16, $0x2  }
0x23: {  	s18 =	simm.s32 $0x0;
	s16 =	sadd.s32 s17, s14;
	s17 =	sadd.s32 s17, s15  }
.LBB1_4:
0x24: {  	v0 =	vmov s17;
	_ =	sdelay $0x3  }
0x25: {  	s20 =	simm.s32 $0x0  }
0x26: {  	v6 =	vld.idx.msk [tilespmem:v0+s20+$0x30 ss:$0x1], $0xffff  }
0x27: {  	v7 =	vld.idx.msk [tilespmem:v0+s20+$0xFFFFFFC0 ss:$0x1], $0xffff  }
0x28: {  	v5 =	vld.idx.msk [tilespmem:v0+s20+$0xFFFFFFD0 ss:$0x1], $0xffff  }
0x29: {  	v4 =	vld.idx.msk [tilespmem:v0+s20+$0xFFFFFFE0 ss:$0x1], $0xffff  }
0x2a: {  	v3 =	vld.idx.msk [tilespmem:v0+s20+$0xFFFFFFF0 ss:$0x1], $0xffff  }
0x2b: {  	v1 =	vld.idx.msk [tilespmem:v0+s20+$0x0 ss:$0x1], $0xffff  }
0x2c: {  	v2 =	vld.idx.msk [tilespmem:v0+s20+$0x10 ss:$0x1], $0xffff;
	[tilespmem:s16+$0x30] =	vst v6  }
0x2d: {  	s19 =	simm.s32 $0x80;
	s21 =	simm.s32 $0x400;
	[tilespmem:s16+$0xFFFFFFC0] =	vst v7;
	v6 =	vld.idx.msk [tilespmem:v0+s20+$0x20 ss:$0x1], $0xffff;
	s20 =	smov.u32 s16  }
.LBB1_5:
0x2e: {  	p1 =	sne.s32 s21, $0xE00;
	v7 =	vld.idx.msk [tilespmem:v0+s19+$0x30 ss:$0x1], $0xffff;
	[tilespmem:s20+$0xFFFFFFD0] =	vst v5  }
0x2f: {  	v8 =	vld.idx.msk [tilespmem:v0+s19+$0xFFFFFFC0 ss:$0x1], $0xffff;
	[tilespmem:s20+$0xFFFFFFE0] =	vst v4  }
0x30: {  	v5 =	vld.idx.msk [tilespmem:v0+s19+$0xFFFFFFD0 ss:$0x1], $0xffff;
	[tilespmem:s20+$0xFFFFFFF0] =	vst v3  }
.Ltmp3:
0x31: {  	v4 =	vld.idx.msk [tilespmem:v0+s19+$0xFFFFFFE0 ss:$0x1], $0xffff;
	[tilespmem:s20+$0x0] =	vst v1;
	(pc) =	sbr.rel @p1 .LBB1_5-.Ltmp3, $4  }
0x32: {  	v3 =	vld.idx.msk [tilespmem:v0+s19+$0xFFFFFFF0 ss:$0x1], $0xffff;
	[tilespmem:s20+$0x10] =	vst v2  }
0x33: {  	v1 =	vld.idx.msk [tilespmem:v0+s19+$0x0 ss:$0x1], $0xffff;
	[tilespmem:s20+$0x20] =	vst v6;
	s20 =	sadd.s32 $0x400, s20  }
0x34: {  	v2 =	vld.idx.msk [tilespmem:v0+s19+$0x10 ss:$0x1], $0xffff;
	[tilespmem:s20+$0x30] =	vst v7  }
0x35: {  	[tilespmem:s20+$0xFFFFFFC0] =	vst v8;
	v6 =	vld.idx.msk [tilespmem:v0+s19+$0x20 ss:$0x1], $0xffff;
	s19 =	sshra.s32 s21, $0x2;
	s21 =	sadd.s32 $0x200, s21  }
0x36: {  	_ =	sdelay $0x2  }
0x37: {  	[tilespmem:s20+$0xFFFFFFD0] =	vst v5  }
0x38: {  	v56 =	vld.idx.msk [tilespmem:v0+s19+$0x30 ss:$0x1], $0xffff;
	[tilespmem:s20+$0xFFFFFFE0] =	vst v4  }
0x39: {  	v57 =	vld.idx.msk [tilespmem:v0+s19+$0xFFFFFFC0 ss:$0x1], $0xffff;
	[tilespmem:s20+$0xFFFFFFF0] =	vst v3  }
0x3a: {  	v58 =	vld.idx.msk [tilespmem:v0+s19+$0xFFFFFFD0 ss:$0x1], $0xffff;
	[tilespmem:s20+$0x0] =	vst v1  }
0x3b: {  	v59 =	vld.idx.msk [tilespmem:v0+s19+$0xFFFFFFE0 ss:$0x1], $0xffff;
	[tilespmem:s20+$0x10] =	vst v2  }
0x3c: {  	v60 =	vld.idx.msk [tilespmem:v0+s19+$0xFFFFFFF0 ss:$0x1], $0xffff;
	s31 =	sadd.s32 $0x400, s20;
	[tilespmem:s20+$0x20] =	vst v6  }
0x3d: {  	v61 =	vld.idx.msk [tilespmem:v0+s19+$0x0 ss:$0x1], $0xffff;
	[tilespmem:s31+$0x30] =	vst v56  }
0x3e: {  	v62 =	vld.idx.msk [tilespmem:v0+s19+$0x10 ss:$0x1], $0xffff;
	s18 =	sadd.s32 $0x1, s18;
	[tilespmem:s31+$0xFFFFFFC0] =	vst v57  }
0x3f: {  	v63 =	vld.idx.msk [tilespmem:v0+s19+$0x20 ss:$0x1], $0xffff;
	p1 =	sne.s32 s18, $0x8;
	[tilespmem:s31+$0xFFFFFFD0] =	vst v58  }
.Ltmp4:
0x40: {  	[tilespmem:s31+$0xFFFFFFE0] =	vst v59;
	(pc) =	sbr.rel @p1 .LBB1_4-.Ltmp4, $4  }
0x41: {  	[tilespmem:s31+$0xFFFFFFF0] =	vst v60  }
0x42: {  	[tilespmem:s31+$0x0] =	vst v61  }
0x43: {  	[tilespmem:s31+$0x10] =	vst v62  }
0x44: {  	s16 =	sadd.s32 $0x80, s16;
	s17 =	sadd.s32 $0x400, s17;
	[tilespmem:s31+$0x20] =	vst v63  }
.Ltmp5:
0x45: {  	(pc) =	sbr.rel @p0 .LBB1_3-.Ltmp5, $2  }
0x46: {  	_ =	sdelay $0x2  }
0x47: {  	s16 =	simm.s32 $0x2000;
	p1 =	por $0x0, $0x0  }
.Ltmp6:
0x48: {  	(pc) =	sbr.rel .LBB1_9-.Ltmp6, $4  }
0x49: {  	_ = 	snop  }
0x4a: {  	s12 =	sshll.u32 s12, $0xA  }
0x4b: {  	s12 =	sadd.s32 s4, s12  }
0x4c: {  	[hbm4b:s12+s8] =	stream.linear.scatter [tilespmem:s13], [sflag:$0x2], $0x4000, $0x38;
	[tilespmem:$0x10000] =	vst v63  }
.LBB1_10:
0x4d: {  	_ =	sfence.sel $0x180000  }
0x4e: {  	s2 =	simm.s32 $0x1;
	[bflag:$0x0] =	sbarrier.arrive $0xFFFF  }
0x4f: {  	s31 =	simm.s32 $0x2;
	[sflag:s2] =	ssyncpa.u1 $0x1  }
0x50: {  	[sflag:s31] =	ssyncpa.u1 $0x1  }
0x51: {  	p0 =	sne.s32 s0, $0x0;
	_ =	strace $0x90000047  }
0x52: {  	s0 =	sadd.s32 @!p0 $0x100000, s1;
	[bflag:$0x2] =	sbarrier.arrive $0xFFFF  }
0x53: {  	[sflag:s0] =	ssyncadd.tile.s32 @!p0 $0x1;
	_ =	shalt  }
.Lfunc_end1:
_tile_overlayer_lowered:
.L_overlay_start_2:
0x54: {  	(tag) =	ssettag $0x2  }
0x55: {  	s0 =	rddreg [dreg:$0x0];
	s2 =	stileid.u32  }
0x56: {  	s1 =	rddreg [dreg:$0x1];
	p0 =	sne.s32 s2, $0x0  }
0x57: {  	s3 =	rddreg [dreg:$0x2];
	[bflag:$0x3] =	sbarrier.arrive $0xFFFF;
	s2 =	simm.s32 @!p0 $0x1C01  }
0x58: {  	[timem:s3], [sflag:s2] =	dma.local @!p0 [hbm:s0], s1  }
0x59: {  	s0 =	simm.s32 @!p0 $0x1  }
0x5a: {  	_ =	swait.ge @!p0 [sflag:s0], s1  }
0x5b: {  	s1 =	ssub.s32 @!p0 $0x0, s1;
	[sflag:s0] =	ssyncset.done @!p0 $0x0  }
0x5c: {  	[sflag:s0] =	ssyncadd.s32 @!p0 s1  }
0x5d: {  	[bflag:$0x3] =	sbarrier.arrive $0xFFFF  }
0x5e: {  	_ =	shalt  }

</sc_bundles>
